<compile_context>
chip_gen: v7x
topology: tpu7x:2x2x1
jax: 0.10.2.dev20260603
libtpu: 0.0.44.dev20260713+nightly
codegen_flags: <defaults>
</compile_context>

<pallas_src>
import functools

import jax
import jax.numpy as jnp
from jax import lax
from jax.experimental import pallas as pl
from jax.experimental.pallas import tpu as pltpu
from jax.experimental.pallas import tpu_sc as plsc

N = 100
D = 131072
NW = 32
WSTRIPE = D // NW
CW = 4096
NCC = WSTRIPE // CW
L = 16
R = 8
UNITS = tuple((w, R) for w in range(0, 96, R)) + ((96, 4),)
NBUF = 3

_mesh = plsc.VectorSubcoreMesh(core_axis_name="c", subcore_axis_name="s")


@functools.partial(
    pl.kernel,
    out_type=jax.ShapeDtypeStruct((N, D), jnp.float32),
    mesh=_mesh,
    compiler_params=pltpu.CompilerParams(needs_layout_passes=False),
    scratch_types=[
        pltpu.VMEM((128,), jnp.int32),
        pltpu.VMEM((12, R), jnp.int32),
        pltpu.VMEM((4,), jnp.int32),
        [pltpu.VMEM((R, CW), jnp.float32) for _ in range(NBUF)],
        pltpu.VMEM((4, CW), jnp.float32),
        [pltpu.SemaphoreType.DMA for _ in range(NBUF)],
        [pltpu.SemaphoreType.DMA for _ in range(NBUF)],
    ],
)
def _sc_gather(x, ords, out, ordv, posv, tailposv, bufs, tailbuf,
               gsems, wsems):
    cid = lax.axis_index("c")
    sid = lax.axis_index("s")
    wid = sid * 2 + cid
    c0 = wid * WSTRIPE

    out_sl = out.at[:, pl.ds(c0, CW)]

    def _buf(s):
        w, r = UNITS[s]
        return bufs[s % NBUF] if r == R else tailbuf

    def start_read(s):
        w, r = UNITS[s]
        pltpu.async_copy(x.at[pl.ds(w, r), pl.ds(c0, CW)],
                         _buf(s), gsems[s % NBUF])

    scats = [None] * NBUF
    for s in range(min(NBUF - 1, len(UNITS))):
        start_read(s)

    ordv[pl.ds(96, L)] = jnp.zeros((L,), jnp.int32)
    pltpu.sync_copy(ords, ordv.at[pl.ds(0, N)])

    iota = lax.iota(jnp.int32, L)
    for w in range(0, 112, L):
        iv = w + iota
        valid = iv < N
        ov = plsc.load_gather(ordv, [iv])
        main = jnp.logical_and(valid, ov < 96)
        plsc.store_scatter(posv, [lax.shift_right_logical(ov, 3),
                                  lax.bitwise_and(ov, R - 1)], iv, mask=main)
        tail = jnp.logical_and(valid, ov >= 96)
        plsc.store_scatter(tailposv, [ov - 96], iv, mask=tail)
    for s in range(len(UNITS)):
        b = s % NBUF
        w, r = UNITS[s]
        pltpu.make_async_copy(x.at[pl.ds(w, r), pl.ds(c0, CW)],
                              _buf(s), gsems[b]).wait()
        if r == R:
            dst = out_sl.at[posv.at[s]]
        else:
            dst = out_sl.at[tailposv]
        scats[b] = pltpu.async_copy(_buf(s), dst, wsems[b])
        n = s + NBUF - 1
        if n < len(UNITS):
            nb = n % NBUF
            if scats[nb] is not None:
                scats[nb].wait()
                scats[nb] = None
            start_read(n)
    for b in range(NBUF):
        if scats[b] is not None:
            scats[b].wait()


def kernel(x, ordinals):
    return _sc_gather(x, ordinals)

# --- scband reference (transcript-rebuilt; emitter-appended) ---
"""Pipeline reference for scband-generic-gather-module-76940044140756 (READ-ONLY COPY).

The authoritative reference and input builder live on the scoring server;
editing this copy changes nothing except your own understanding.
"""

import jax, jax.numpy as jnp
import numpy as np

ORDINALS = np.flip(np.arange(100)).astype(np.int32).copy()

def setup_inputs(seed: int = 0) -> dict:
    key = jax.random.key(seed)
    x = jax.random.normal(key, (100, 131072), dtype=jnp.float32)
    ordinals = jnp.asarray(ORDINALS)
    return {"x": x, "ordinals": ordinals}

def reference(x, ordinals):
    # torch.index_select(x, 0, ordinals) == gather rows of x
    return jnp.take(x, ordinals, axis=0)

if __name__ == "__main__":
    import jax
    _d = setup_inputs()
    print(jax.jit(kernel)(*tuple(_d.values())))

</pallas_src>

<mosaic_0001>
#map = affine_map<(d0, d1) -> (0, 0)>
#map1 = affine_map<(d0, d1) -> (0)>
module attributes {stable_mosaic.version = 14 : i64} {
  func.func @_sc_gather(%arg0: i32, %arg1: i32, %arg2: memref<100x131072xf32, #tpu.memory_space<hbm>>, %arg3: memref<100xi32, #tpu.memory_space<hbm>>, %arg4: memref<100x131072xf32, #tpu.memory_space<hbm>>, %arg5: memref<128xi32, #tpu.memory_space<vmem>>, %arg6: memref<12x8xi32, #tpu.memory_space<vmem>>, %arg7: memref<4xi32, #tpu.memory_space<vmem>>, %arg8: memref<8x4096xf32, #tpu.memory_space<vmem>>, %arg9: memref<8x4096xf32, #tpu.memory_space<vmem>>, %arg10: memref<8x4096xf32, #tpu.memory_space<vmem>>, %arg11: memref<4x4096xf32, #tpu.memory_space<vmem>>, %arg12: memref<!tpu.dma_semaphore, #tpu.memory_space<semaphore_mem>>, %arg13: memref<!tpu.dma_semaphore, #tpu.memory_space<semaphore_mem>>, %arg14: memref<!tpu.dma_semaphore, #tpu.memory_space<semaphore_mem>>, %arg15: memref<!tpu.dma_semaphore, #tpu.memory_space<semaphore_mem>>, %arg16: memref<!tpu.dma_semaphore, #tpu.memory_space<semaphore_mem>>, %arg17: memref<!tpu.dma_semaphore, #tpu.memory_space<semaphore_mem>>) attributes {dimension_semantics = [#tpu.dimension_semantics<core_parallel>, #tpu.dimension_semantics<subcore_parallel>], iteration_bounds = array<i64: 2, 16>, scalar_prefetch = 0 : i64, scratch_operands = 13 : i64, tpu.core_type = #tpu.core_type<sc_vector_subcore>, window_params = [{transform_indices = #map}, {transform_indices = #map1}, {transform_indices = #map}]} {
    %mul3A = arith.constant 2 : i32
    %mul3A_0 = arith.muli %arg1, %mul3A : i32
    %add3A = arith.addi %mul3A_0, %arg0 : i32
    %mul3A_1 = arith.constant 4096 : i32
    %mul3A_2 = arith.muli %add3A, %mul3A_1 : i32
    %dma_start3A = arith.constant 0 : i32
    %dma_start3A_3 = tpu.memref_slice %arg2[%dma_start3A, %mul3A_2] : memref<100x131072xf32, #tpu.memory_space<hbm>> -> memref<8x4096xf32, #tpu.memory_space<hbm>>
    %dma_start3A_4 = arith.constant 0 : i32
    %dma_start3A_5 = tpu.memref_slice %arg2[%dma_start3A_4, %mul3A_2] : memref<100x131072xf32, #tpu.memory_space<hbm>> -> memref<8x4096xf32, #tpu.memory_space<hbm>>
    tpu.enqueue_dma source(%dma_start3A_5 : memref<8x4096xf32, #tpu.memory_space<hbm>>) target(%arg8 : memref<8x4096xf32, #tpu.memory_space<vmem>>) target_semaphore(%arg12 : memref<!tpu.dma_semaphore, #tpu.memory_space<semaphore_mem>>)
    %dma_start3A_6 = arith.constant 8 : i32
    %dma_start3A_7 = tpu.memref_slice %arg2[%dma_start3A_6, %mul3A_2] : memref<100x131072xf32, #tpu.memory_space<hbm>> -> memref<8x4096xf32, #tpu.memory_space<hbm>>
    %dma_start3A_8 = arith.constant 8 : i32
    %dma_start3A_9 = tpu.memref_slice %arg2[%dma_start3A_8, %mul3A_2] : memref<100x131072xf32, #tpu.memory_space<hbm>> -> memref<8x4096xf32, #tpu.memory_space<hbm>>
    tpu.enqueue_dma source(%dma_start3A_9 : memref<8x4096xf32, #tpu.memory_space<hbm>>) target(%arg9 : memref<8x4096xf32, #tpu.memory_space<vmem>>) target_semaphore(%arg13 : memref<!tpu.dma_semaphore, #tpu.memory_space<semaphore_mem>>)
    %broadcast_in_dim3A = arith.constant 0 : i32
    %broadcast_in_dim3A_10 = vector.broadcast %broadcast_in_dim3A : i32 to vector<16xi32>
    %swap3A = arith.constant 96 : index
    %swap3A_11 = tpu.vector_load %arg5[%swap3A] {strides = array<i32>} : memref<128xi32, #tpu.memory_space<vmem>>, vector<16xi32>,
    tpu.vector_store %arg5[%swap3A], %broadcast_in_dim3A_10 {strides = array<i32>} : memref<128xi32, #tpu.memory_space<vmem>>, vector<16xi32>,
    "tpu.region"() ({
      %run_scoped3A = tpu.sem_alloc : memref<!tpu.dma_semaphore, #tpu.memory_space<semaphore_mem>>
      %dma_start3A_495 = arith.constant 0 : i32
      %dma_start3A_496 = tpu.memref_slice %arg5[%dma_start3A_495] : memref<128xi32, #tpu.memory_space<vmem>> -> memref<100xi32, #tpu.memory_space<vmem>>
      %dma_start3A_497 = arith.constant 0 : i32
      %dma_start3A_498 = tpu.memref_slice %arg5[%dma_start3A_497] : memref<128xi32, #tpu.memory_space<vmem>> -> memref<100xi32, #tpu.memory_space<vmem>>
      tpu.enqueue_dma source(%arg3 : memref<100xi32, #tpu.memory_space<hbm>>) target(%dma_start3A_498 : memref<100xi32, #tpu.memory_space<vmem>>) target_semaphore(%run_scoped3A : memref<!tpu.dma_semaphore, #tpu.memory_space<semaphore_mem>>)
      %dma_wait3A_499 = arith.constant 0 : i32
      %dma_wait3A_500 = tpu.memref_slice %arg5[%dma_wait3A_499] : memref<128xi32, #tpu.memory_space<vmem>> -> memref<100xi32, #tpu.memory_space<vmem>>
      %dma_wait3A_501 = arith.constant 0 : i32
      %dma_wait3A_502 = tpu.memref_slice %arg5[%dma_wait3A_501] : memref<128xi32, #tpu.memory_space<vmem>> -> memref<100xi32, #tpu.memory_space<vmem>>
      tpu.wait_dma2 semaphore(%run_scoped3A : memref<!tpu.dma_semaphore, #tpu.memory_space<semaphore_mem>>) src(%arg3 : memref<100xi32, #tpu.memory_space<hbm>>) dst(%dma_wait3A_502 : memref<100xi32, #tpu.memory_space<vmem>>)
      tpu.yield
    }) : () -> ()
    %iota3A = tpu.iota {dimensions = array<i32: 0>} : vector<16xi32>
    %add3A_12 = arith.constant 0 : i32
    %add3A_13 = vector.broadcast %add3A_12 : i32 to vector<16xi32>
    %add3A_14 = arith.addi %add3A_13, %iota3A : vector<16xi32>
    %lt3A = arith.constant 100 : i32
    %lt3A_15 = vector.broadcast %lt3A : i32 to vector<16xi32>
    %lt3A_16 = arith.cmpi slt, %add3A_14, %lt3A_15 : vector<16xi32>
    %gather3A = tpu.vector_load_idx %arg5[%add3A_14] : memref<128xi32, #tpu.memory_space<vmem>>[vector<16xi32>], vector<16xi32>,
    %lt3A_17 = arith.constant 96 : i32
    %lt3A_18 = vector.broadcast %lt3A_17 : i32 to vector<16xi32>
    %lt3A_19 = arith.cmpi slt, %gather3A, %lt3A_18 : vector<16xi32>
    %and3A = arith.andi %lt3A_16, %lt3A_19 : vector<16xi1>
    %shift_right_logical3A = arith.constant 3 : i32
    %shift_right_logical3A_20 = vector.broadcast %shift_right_logical3A : i32 to vector<16xi32>
    %shift_right_logical3A_21 = arith.shrui %gather3A, %shift_right_logical3A_20 : vector<16xi32>
    %and3A_22 = arith.constant 7 : i32
    %and3A_23 = vector.broadcast %and3A_22 : i32 to vector<16xi32>
    %and3A_24 = arith.andi %gather3A, %and3A_23 : vector<16xi32>
    tpu.vector_store_idx %arg6[%shift_right_logical3A_21, %and3A_24], %add3A_14 masked %and3A : memref<12x8xi32, #tpu.memory_space<vmem>>[vector<16xi32>, vector<16xi32>], vector<16xi32>, vector<16xi1>
    %ge3A = arith.constant 96 : i32
    %ge3A_25 = vector.broadcast %ge3A : i32 to vector<16xi32>
    %ge3A_26 = arith.cmpi sge, %gather3A, %ge3A_25 : vector<16xi32>
    %and3A_27 = arith.andi %lt3A_16, %ge3A_26 : vector<16xi1>
    %sub3A = arith.constant 96 : i32
    %sub3A_28 = vector.broadcast %sub3A : i32 to vector<16xi32>
    %sub3A_29 = arith.subi %gather3A, %sub3A_28 : vector<16xi32>
    tpu.vector_store_idx %arg7[%sub3A_29], %add3A_14 masked %and3A_27 : memref<4xi32, #tpu.memory_space<vmem>>[vector<16xi32>], vector<16xi32>, vector<16xi1>
    %add3A_30 = arith.constant 16 : i32
    %add3A_31 = vector.broadcast %add3A_30 : i32 to vector<16xi32>
    %add3A_32 = arith.addi %add3A_31, %iota3A : vector<16xi32>
    %lt3A_33 = arith.constant 100 : i32
    %lt3A_34 = vector.broadcast %lt3A_33 : i32 to vector<16xi32>
    %lt3A_35 = arith.cmpi slt, %add3A_32, %lt3A_34 : vector<16xi32>
    %gather3A_36 = tpu.vector_load_idx %arg5[%add3A_32] : memref<128xi32, #tpu.memory_space<vmem>>[vector<16xi32>], vector<16xi32>,
    %lt3A_37 = arith.constant 96 : i32
    %lt3A_38 = vector.broadcast %lt3A_37 : i32 to vector<16xi32>
    %lt3A_39 = arith.cmpi slt, %gather3A_36, %lt3A_38 : vector<16xi32>
    %and3A_40 = arith.andi %lt3A_35, %lt3A_39 : vector<16xi1>
    %shift_right_logical3A_41 = arith.constant 3 : i32
    %shift_right_logical3A_42 = vector.broadcast %shift_right_logical3A_41 : i32 to vector<16xi32>
    %shift_right_logical3A_43 = arith.shrui %gather3A_36, %shift_right_logical3A_42 : vector<16xi32>
    %and3A_44 = arith.constant 7 : i32
    %and3A_45 = vector.broadcast %and3A_44 : i32 to vector<16xi32>
    %and3A_46 = arith.andi %gather3A_36, %and3A_45 : vector<16xi32>
    tpu.vector_store_idx %arg6[%shift_right_logical3A_43, %and3A_46], %add3A_32 masked %and3A_40 : memref<12x8xi32, #tpu.memory_space<vmem>>[vector<16xi32>, vector<16xi32>], vector<16xi32>, vector<16xi1>
    %ge3A_47 = arith.constant 96 : i32
    %ge3A_48 = vector.broadcast %ge3A_47 : i32 to vector<16xi32>
    %ge3A_49 = arith.cmpi sge, %gather3A_36, %ge3A_48 : vector<16xi32>
    %and3A_50 = arith.andi %lt3A_35, %ge3A_49 : vector<16xi1>
    %sub3A_51 = arith.constant 96 : i32
    %sub3A_52 = vector.broadcast %sub3A_51 : i32 to vector<16xi32>
    %sub3A_53 = arith.subi %gather3A_36, %sub3A_52 : vector<16xi32>
    tpu.vector_store_idx %arg7[%sub3A_53], %add3A_32 masked %and3A_50 : memref<4xi32, #tpu.memory_space<vmem>>[vector<16xi32>], vector<16xi32>, vector<16xi1>
    %add3A_54 = arith.constant 32 : i32
    %add3A_55 = vector.broadcast %add3A_54 : i32 to vector<16xi32>
    %add3A_56 = arith.addi %add3A_55, %iota3A : vector<16xi32>
    %lt3A_57 = arith.constant 100 : i32
    %lt3A_58 = vector.broadcast %lt3A_57 : i32 to vector<16xi32>
    %lt3A_59 = arith.cmpi slt, %add3A_56, %lt3A_58 : vector<16xi32>
    %gather3A_60 = tpu.vector_load_idx %arg5[%add3A_56] : memref<128xi32, #tpu.memory_space<vmem>>[vector<16xi32>], vector<16xi32>,
    %lt3A_61 = arith.constant 96 : i32
    %lt3A_62 = vector.broadcast %lt3A_61 : i32 to vector<16xi32>
    %lt3A_63 = arith.cmpi slt, %gather3A_60, %lt3A_62 : vector<16xi32>
    %and3A_64 = arith.andi %lt3A_59, %lt3A_63 : vector<16xi1>
    %shift_right_logical3A_65 = arith.constant 3 : i32
    %shift_right_logical3A_66 = vector.broadcast %shift_right_logical3A_65 : i32 to vector<16xi32>
    %shift_right_logical3A_67 = arith.shrui %gather3A_60, %shift_right_logical3A_66 : vector<16xi32>
    %and3A_68 = arith.constant 7 : i32
    %and3A_69 = vector.broadcast %and3A_68 : i32 to vector<16xi32>
    %and3A_70 = arith.andi %gather3A_60, %and3A_69 : vector<16xi32>
    tpu.vector_store_idx %arg6[%shift_right_logical3A_67, %and3A_70], %add3A_56 masked %and3A_64 : memref<12x8xi32, #tpu.memory_space<vmem>>[vector<16xi32>, vector<16xi32>], vector<16xi32>, vector<16xi1>
    %ge3A_71 = arith.constant 96 : i32
    %ge3A_72 = vector.broadcast %ge3A_71 : i32 to vector<16xi32>
    %ge3A_73 = arith.cmpi sge, %gather3A_60, %ge3A_72 : vector<16xi32>
    %and3A_74 = arith.andi %lt3A_59, %ge3A_73 : vector<16xi1>
    %sub3A_75 = arith.constant 96 : i32
    %sub3A_76 = vector.broadcast %sub3A_75 : i32 to vector<16xi32>
    %sub3A_77 = arith.subi %gather3A_60, %sub3A_76 : vector<16xi32>
    tpu.vector_store_idx %arg7[%sub3A_77], %add3A_56 masked %and3A_74 : memref<4xi32, #tpu.memory_space<vmem>>[vector<16xi32>], vector<16xi32>, vector<16xi1>
    %add3A_78 = arith.constant 48 : i32
    %add3A_79 = vector.broadcast %add3A_78 : i32 to vector<16xi32>
    %add3A_80 = arith.addi %add3A_79, %iota3A : vector<16xi32>
    %lt3A_81 = arith.constant 100 : i32
    %lt3A_82 = vector.broadcast %lt3A_81 : i32 to vector<16xi32>
    %lt3A_83 = arith.cmpi slt, %add3A_80, %lt3A_82 : vector<16xi32>
    %gather3A_84 = tpu.vector_load_idx %arg5[%add3A_80] : memref<128xi32, #tpu.memory_space<vmem>>[vector<16xi32>], vector<16xi32>,
    %lt3A_85 = arith.constant 96 : i32
    %lt3A_86 = vector.broadcast %lt3A_85 : i32 to vector<16xi32>
    %lt3A_87 = arith.cmpi slt, %gather3A_84, %lt3A_86 : vector<16xi32>
    %and3A_88 = arith.andi %lt3A_83, %lt3A_87 : vector<16xi1>
    %shift_right_logical3A_89 = arith.constant 3 : i32
    %shift_right_logical3A_90 = vector.broadcast %shift_right_logical3A_89 : i32 to vector<16xi32>
    %shift_right_logical3A_91 = arith.shrui %gather3A_84, %shift_right_logical3A_90 : vector<16xi32>
    %and3A_92 = arith.constant 7 : i32
    %and3A_93 = vector.broadcast %and3A_92 : i32 to vector<16xi32>
    %and3A_94 = arith.andi %gather3A_84, %and3A_93 : vector<16xi32>
    tpu.vector_store_idx %arg6[%shift_right_logical3A_91, %and3A_94], %add3A_80 masked %and3A_88 : memref<12x8xi32, #tpu.memory_space<vmem>>[vector<16xi32>, vector<16xi32>], vector<16xi32>, vector<16xi1>
    %ge3A_95 = arith.constant 96 : i32
    %ge3A_96 = vector.broadcast %ge3A_95 : i32 to vector<16xi32>
    %ge3A_97 = arith.cmpi sge, %gather3A_84, %ge3A_96 : vector<16xi32>
    %and3A_98 = arith.andi %lt3A_83, %ge3A_97 : vector<16xi1>
    %sub3A_99 = arith.constant 96 : i32
    %sub3A_100 = vector.broadcast %sub3A_99 : i32 to vector<16xi32>
    %sub3A_101 = arith.subi %gather3A_84, %sub3A_100 : vector<16xi32>
    tpu.vector_store_idx %arg7[%sub3A_101], %add3A_80 masked %and3A_98 : memref<4xi32, #tpu.memory_space<vmem>>[vector<16xi32>], vector<16xi32>, vector<16xi1>
    %add3A_102 = arith.constant 64 : i32
    %add3A_103 = vector.broadcast %add3A_102 : i32 to vector<16xi32>
    %add3A_104 = arith.addi %add3A_103, %iota3A : vector<16xi32>
    %lt3A_105 = arith.constant 100 : i32
    %lt3A_106 = vector.broadcast %lt3A_105 : i32 to vector<16xi32>
    %lt3A_107 = arith.cmpi slt, %add3A_104, %lt3A_106 : vector<16xi32>
    %gather3A_108 = tpu.vector_load_idx %arg5[%add3A_104] : memref<128xi32, #tpu.memory_space<vmem>>[vector<16xi32>], vector<16xi32>,
    %lt3A_109 = arith.constant 96 : i32
    %lt3A_110 = vector.broadcast %lt3A_109 : i32 to vector<16xi32>
    %lt3A_111 = arith.cmpi slt, %gather3A_108, %lt3A_110 : vector<16xi32>
    %and3A_112 = arith.andi %lt3A_107, %lt3A_111 : vector<16xi1>
    %shift_right_logical3A_113 = arith.constant 3 : i32
    %shift_right_logical3A_114 = vector.broadcast %shift_right_logical3A_113 : i32 to vector<16xi32>
    %shift_right_logical3A_115 = arith.shrui %gather3A_108, %shift_right_logical3A_114 : vector<16xi32>
    %and3A_116 = arith.constant 7 : i32
    %and3A_117 = vector.broadcast %and3A_116 : i32 to vector<16xi32>
    %and3A_118 = arith.andi %gather3A_108, %and3A_117 : vector<16xi32>
    tpu.vector_store_idx %arg6[%shift_right_logical3A_115, %and3A_118], %add3A_104 masked %and3A_112 : memref<12x8xi32, #tpu.memory_space<vmem>>[vector<16xi32>, vector<16xi32>], vector<16xi32>, vector<16xi1>
    %ge3A_119 = arith.constant 96 : i32
    %ge3A_120 = vector.broadcast %ge3A_119 : i32 to vector<16xi32>
    %ge3A_121 = arith.cmpi sge, %gather3A_108, %ge3A_120 : vector<16xi32>
    %and3A_122 = arith.andi %lt3A_107, %ge3A_121 : vector<16xi1>
    %sub3A_123 = arith.constant 96 : i32
    %sub3A_124 = vector.broadcast %sub3A_123 : i32 to vector<16xi32>
    %sub3A_125 = arith.subi %gather3A_108, %sub3A_124 : vector<16xi32>
    tpu.vector_store_idx %arg7[%sub3A_125], %add3A_104 masked %and3A_122 : memref<4xi32, #tpu.memory_space<vmem>>[vector<16xi32>], vector<16xi32>, vector<16xi1>
    %add3A_126 = arith.constant 80 : i32
    %add3A_127 = vector.broadcast %add3A_126 : i32 to vector<16xi32>
    %add3A_128 = arith.addi %add3A_127, %iota3A : vector<16xi32>
    %lt3A_129 = arith.constant 100 : i32
    %lt3A_130 = vector.broadcast %lt3A_129 : i32 to vector<16xi32>
    %lt3A_131 = arith.cmpi slt, %add3A_128, %lt3A_130 : vector<16xi32>
    %gather3A_132 = tpu.vector_load_idx %arg5[%add3A_128] : memref<128xi32, #tpu.memory_space<vmem>>[vector<16xi32>], vector<16xi32>,
    %lt3A_133 = arith.constant 96 : i32
    %lt3A_134 = vector.broadcast %lt3A_133 : i32 to vector<16xi32>
    %lt3A_135 = arith.cmpi slt, %gather3A_132, %lt3A_134 : vector<16xi32>
    %and3A_136 = arith.andi %lt3A_131, %lt3A_135 : vector<16xi1>
    %shift_right_logical3A_137 = arith.constant 3 : i32
    %shift_right_logical3A_138 = vector.broadcast %shift_right_logical3A_137 : i32 to vector<16xi32>
    %shift_right_logical3A_139 = arith.shrui %gather3A_132, %shift_right_logical3A_138 : vector<16xi32>
    %and3A_140 = arith.constant 7 : i32
    %and3A_141 = vector.broadcast %and3A_140 : i32 to vector<16xi32>
    %and3A_142 = arith.andi %gather3A_132, %and3A_141 : vector<16xi32>
    tpu.vector_store_idx %arg6[%shift_right_logical3A_139, %and3A_142], %add3A_128 masked %and3A_136 : memref<12x8xi32, #tpu.memory_space<vmem>>[vector<16xi32>, vector<16xi32>], vector<16xi32>, vector<16xi1>
    %ge3A_143 = arith.constant 96 : i32
    %ge3A_144 = vector.broadcast %ge3A_143 : i32 to vector<16xi32>
    %ge3A_145 = arith.cmpi sge, %gather3A_132, %ge3A_144 : vector<16xi32>
    %and3A_146 = arith.andi %lt3A_131, %ge3A_145 : vector<16xi1>
    %sub3A_147 = arith.constant 96 : i32
    %sub3A_148 = vector.broadcast %sub3A_147 : i32 to vector<16xi32>
    %sub3A_149 = arith.subi %gather3A_132, %sub3A_148 : vector<16xi32>
    tpu.vector_store_idx %arg7[%sub3A_149], %add3A_128 masked %and3A_146 : memref<4xi32, #tpu.memory_space<vmem>>[vector<16xi32>], vector<16xi32>, vector<16xi1>
    %add3A_150 = arith.constant 96 : i32
    %add3A_151 = vector.broadcast %add3A_150 : i32 to vector<16xi32>
    %add3A_152 = arith.addi %add3A_151, %iota3A : vector<16xi32>
    %lt3A_153 = arith.constant 100 : i32
    %lt3A_154 = vector.broadcast %lt3A_153 : i32 to vector<16xi32>
    %lt3A_155 = arith.cmpi slt, %add3A_152, %lt3A_154 : vector<16xi32>
    %gather3A_156 = tpu.vector_load_idx %arg5[%add3A_152] : memref<128xi32, #tpu.memory_space<vmem>>[vector<16xi32>], vector<16xi32>,
    %lt3A_157 = arith.constant 96 : i32
    %lt3A_158 = vector.broadcast %lt3A_157 : i32 to vector<16xi32>
    %lt3A_159 = arith.cmpi slt, %gather3A_156, %lt3A_158 : vector<16xi32>
    %and3A_160 = arith.andi %lt3A_155, %lt3A_159 : vector<16xi1>
    %shift_right_logical3A_161 = arith.constant 3 : i32
    %shift_right_logical3A_162 = vector.broadcast %shift_right_logical3A_161 : i32 to vector<16xi32>
    %shift_right_logical3A_163 = arith.shrui %gather3A_156, %shift_right_logical3A_162 : vector<16xi32>
    %and3A_164 = arith.constant 7 : i32
    %and3A_165 = vector.broadcast %and3A_164 : i32 to vector<16xi32>
    %and3A_166 = arith.andi %gather3A_156, %and3A_165 : vector<16xi32>
    tpu.vector_store_idx %arg6[%shift_right_logical3A_163, %and3A_166], %add3A_152 masked %and3A_160 : memref<12x8xi32, #tpu.memory_space<vmem>>[vector<16xi32>, vector<16xi32>], vector<16xi32>, vector<16xi1>
    %ge3A_167 = arith.constant 96 : i32
    %ge3A_168 = vector.broadcast %ge3A_167 : i32 to vector<16xi32>
    %ge3A_169 = arith.cmpi sge, %gather3A_156, %ge3A_168 : vector<16xi32>
    %and3A_170 = arith.andi %lt3A_155, %ge3A_169 : vector<16xi1>
    %sub3A_171 = arith.constant 96 : i32
    %sub3A_172 = vector.broadcast %sub3A_171 : i32 to vector<16xi32>
    %sub3A_173 = arith.subi %gather3A_156, %sub3A_172 : vector<16xi32>
    tpu.vector_store_idx %arg7[%sub3A_173], %add3A_152 masked %and3A_170 : memref<4xi32, #tpu.memory_space<vmem>>[vector<16xi32>], vector<16xi32>, vector<16xi1>
    %dma_wait3A = arith.constant 0 : i32
    %dma_wait3A_174 = tpu.memref_slice %arg2[%dma_wait3A, %mul3A_2] : memref<100x131072xf32, #tpu.memory_space<hbm>> -> memref<8x4096xf32, #tpu.memory_space<hbm>>
    %dma_wait3A_175 = arith.constant 0 : i32
    %dma_wait3A_176 = tpu.memref_slice %arg2[%dma_wait3A_175, %mul3A_2] : memref<100x131072xf32, #tpu.memory_space<hbm>> -> memref<8x4096xf32, #tpu.memory_space<hbm>>
    tpu.wait_dma2 semaphore(%arg12 : memref<!tpu.dma_semaphore, #tpu.memory_space<semaphore_mem>>) src(%dma_wait3A_176 : memref<8x4096xf32, #tpu.memory_space<hbm>>) dst(%arg8 : memref<8x4096xf32, #tpu.memory_space<vmem>>)
    %dma_start3A_177 = arith.constant 0 : i32
    %dma_start3A_178 = arith.constant 0 : i32
    %dma_start3A_179 = tpu.memref_slice %arg6[%dma_start3A_177, %dma_start3A_178] : memref<12x8xi32, #tpu.memory_space<vmem>> -> memref<1x8xi32, #tpu.memory_space<vmem>>
    %dma_start3A_180 = tpu.memref_squeeze %dma_start3A_179 : memref<1x8xi32, #tpu.memory_space<vmem>> -> memref<8xi32, #tpu.memory_space<vmem>>
    %dma_start3A_181 = arith.constant 0 : i32
    %dma_start3A_182 = tpu.memref_slice %arg4[%dma_start3A_181, %mul3A_2] : memref<100x131072xf32, #tpu.memory_space<hbm>> -> memref<100x4096xf32, #tpu.memory_space<hbm>>
    %dma_start3A_183 = arith.constant 0 : i32
    %dma_start3A_184 = arith.constant 0 : i32
    %dma_start3A_185 = tpu.memref_slice %dma_start3A_182[%dma_start3A_183, %dma_start3A_184] : memref<100x4096xf32, #tpu.memory_space<hbm>> -> memref<100x4096xf32, #tpu.memory_space<hbm>>
    tpu.enqueue_indirect_dma source(%arg8 : memref<8x4096xf32, #tpu.memory_space<vmem>>) target(%dma_start3A_185 : memref<100x4096xf32, #tpu.memory_space<hbm>>) offsets(%dma_start3A_180 : memref<8xi32, #tpu.memory_space<vmem>>) semaphore(%arg15 : memref<!tpu.dma_semaphore, #tpu.memory_space<semaphore_mem>>)
    %dma_start3A_186 = arith.constant 16 : i32
    %dma_start3A_187 = tpu.memref_slice %arg2[%dma_start3A_186, %mul3A_2] : memref<100x131072xf32, #tpu.memory_space<hbm>> -> memref<8x4096xf32, #tpu.memory_space<hbm>>
    %dma_start3A_188 = arith.constant 16 : i32
    %dma_start3A_189 = tpu.memref_slice %arg2[%dma_start3A_188, %mul3A_2] : memref<100x131072xf32, #tpu.memory_space<hbm>> -> memref<8x4096xf32, #tpu.memory_space<hbm>>
    tpu.enqueue_dma source(%dma_start3A_189 : memref<8x4096xf32, #tpu.memory_space<hbm>>) target(%arg10 : memref<8x4096xf32, #tpu.memory_space<vmem>>) target_semaphore(%arg14 : memref<!tpu.dma_semaphore, #tpu.memory_space<semaphore_mem>>)
    %dma_wait3A_190 = arith.constant 8 : i32
    %dma_wait3A_191 = tpu.memref_slice %arg2[%dma_wait3A_190, %mul3A_2] : memref<100x131072xf32, #tpu.memory_space<hbm>> -> memref<8x4096xf32, #tpu.memory_space<hbm>>
    %dma_wait3A_192 = arith.constant 8 : i32
    %dma_wait3A_193 = tpu.memref_slice %arg2[%dma_wait3A_192, %mul3A_2] : memref<100x131072xf32, #tpu.memory_space<hbm>> -> memref<8x4096xf32, #tpu.memory_space<hbm>>
    tpu.wait_dma2 semaphore(%arg13 : memref<!tpu.dma_semaphore, #tpu.memory_space<semaphore_mem>>) src(%dma_wait3A_193 : memref<8x4096xf32, #tpu.memory_space<hbm>>) dst(%arg9 : memref<8x4096xf32, #tpu.memory_space<vmem>>)
    %dma_start3A_194 = arith.constant 1 : i32
    %dma_start3A_195 = arith.constant 0 : i32
    %dma_start3A_196 = tpu.memref_slice %arg6[%dma_start3A_194, %dma_start3A_195] : memref<12x8xi32, #tpu.memory_space<vmem>> -> memref<1x8xi32, #tpu.memory_space<vmem>>
    %dma_start3A_197 = tpu.memref_squeeze %dma_start3A_196 : memref<1x8xi32, #tpu.memory_space<vmem>> -> memref<8xi32, #tpu.memory_space<vmem>>
    %dma_start3A_198 = arith.constant 0 : i32
    %dma_start3A_199 = tpu.memref_slice %arg4[%dma_start3A_198, %mul3A_2] : memref<100x131072xf32, #tpu.memory_space<hbm>> -> memref<100x4096xf32, #tpu.memory_space<hbm>>
    %dma_start3A_200 = arith.constant 0 : i32
    %dma_start3A_201 = arith.constant 0 : i32
    %dma_start3A_202 = tpu.memref_slice %dma_start3A_199[%dma_start3A_200, %dma_start3A_201] : memref<100x4096xf32, #tpu.memory_space<hbm>> -> memref<100x4096xf32, #tpu.memory_space<hbm>>
    tpu.enqueue_indirect_dma source(%arg9 : memref<8x4096xf32, #tpu.memory_space<vmem>>) target(%dma_start3A_202 : memref<100x4096xf32, #tpu.memory_space<hbm>>) offsets(%dma_start3A_197 : memref<8xi32, #tpu.memory_space<vmem>>) semaphore(%arg16 : memref<!tpu.dma_semaphore, #tpu.memory_space<semaphore_mem>>)
    %dma_wait3A_203 = arith.constant 0 : i32
    %dma_wait3A_204 = arith.constant 0 : i32
    %dma_wait3A_205 = tpu.memref_slice %arg6[%dma_wait3A_203, %dma_wait3A_204] : memref<12x8xi32, #tpu.memory_space<vmem>> -> memref<1x8xi32, #tpu.memory_space<vmem>>
    %dma_wait3A_206 = tpu.memref_squeeze %dma_wait3A_205 : memref<1x8xi32, #tpu.memory_space<vmem>> -> memref<8xi32, #tpu.memory_space<vmem>>
    %dma_wait3A_207 = arith.constant 0 : i32
    %dma_wait3A_208 = tpu.memref_slice %arg4[%dma_wait3A_207, %mul3A_2] : memref<100x131072xf32, #tpu.memory_space<hbm>> -> memref<100x4096xf32, #tpu.memory_space<hbm>>
    %dma_wait3A_209 = arith.constant 0 : i32
    %dma_wait3A_210 = arith.constant 0 : i32
    %dma_wait3A_211 = tpu.memref_slice %dma_wait3A_208[%dma_wait3A_209, %dma_wait3A_210] : memref<100x4096xf32, #tpu.memory_space<hbm>> -> memref<100x4096xf32, #tpu.memory_space<hbm>>
    tpu.wait_indirect_dma semaphore(%arg15 : memref<!tpu.dma_semaphore, #tpu.memory_space<semaphore_mem>>) src(%arg8 : memref<8x4096xf32, #tpu.memory_space<vmem>>) dst(%dma_wait3A_211 : memref<100x4096xf32, #tpu.memory_space<hbm>>)
    %dma_start3A_212 = arith.constant 24 : i32
    %dma_start3A_213 = tpu.memref_slice %arg2[%dma_start3A_212, %mul3A_2] : memref<100x131072xf32, #tpu.memory_space<hbm>> -> memref<8x4096xf32, #tpu.memory_space<hbm>>
    %dma_start3A_214 = arith.constant 24 : i32
    %dma_start3A_215 = tpu.memref_slice %arg2[%dma_start3A_214, %mul3A_2] : memref<100x131072xf32, #tpu.memory_space<hbm>> -> memref<8x4096xf32, #tpu.memory_space<hbm>>
    tpu.enqueue_dma source(%dma_start3A_215 : memref<8x4096xf32, #tpu.memory_space<hbm>>) target(%arg8 : memref<8x4096xf32, #tpu.memory_space<vmem>>) target_semaphore(%arg12 : memref<!tpu.dma_semaphore, #tpu.memory_space<semaphore_mem>>)
    %dma_wait3A_216 = arith.constant 16 : i32
    %dma_wait3A_217 = tpu.memref_slice %arg2[%dma_wait3A_216, %mul3A_2] : memref<100x131072xf32, #tpu.memory_space<hbm>> -> memref<8x4096xf32, #tpu.memory_space<hbm>>
    %dma_wait3A_218 = arith.constant 16 : i32
    %dma_wait3A_219 = tpu.memref_slice %arg2[%dma_wait3A_218, %mul3A_2] : memref<100x131072xf32, #tpu.memory_space<hbm>> -> memref<8x4096xf32, #tpu.memory_space<hbm>>
    tpu.wait_dma2 semaphore(%arg14 : memref<!tpu.dma_semaphore, #tpu.memory_space<semaphore_mem>>) src(%dma_wait3A_219 : memref<8x4096xf32, #tpu.memory_space<hbm>>) dst(%arg10 : memref<8x4096xf32, #tpu.memory_space<vmem>>)
    %dma_start3A_220 = arith.constant 2 : i32
    %dma_start3A_221 = arith.constant 0 : i32
    %dma_start3A_222 = tpu.memref_slice %arg6[%dma_start3A_220, %dma_start3A_221] : memref<12x8xi32, #tpu.memory_space<vmem>> -> memref<1x8xi32, #tpu.memory_space<vmem>>
    %dma_start3A_223 = tpu.memref_squeeze %dma_start3A_222 : memref<1x8xi32, #tpu.memory_space<vmem>> -> memref<8xi32, #tpu.memory_space<vmem>>
    %dma_start3A_224 = arith.constant 0 : i32
    %dma_start3A_225 = tpu.memref_slice %arg4[%dma_start3A_224, %mul3A_2] : memref<100x131072xf32, #tpu.memory_space<hbm>> -> memref<100x4096xf32, #tpu.memory_space<hbm>>
    %dma_start3A_226 = arith.constant 0 : i32
    %dma_start3A_227 = arith.constant 0 : i32
    %dma_start3A_228 = tpu.memref_slice %dma_start3A_225[%dma_start3A_226, %dma_start3A_227] : memref<100x4096xf32, #tpu.memory_space<hbm>> -> memref<100x4096xf32, #tpu.memory_space<hbm>>
    tpu.enqueue_indirect_dma source(%arg10 : memref<8x4096xf32, #tpu.memory_space<vmem>>) target(%dma_start3A_228 : memref<100x4096xf32, #tpu.memory_space<hbm>>) offsets(%dma_start3A_223 : memref<8xi32, #tpu.memory_space<vmem>>) semaphore(%arg17 : memref<!tpu.dma_semaphore, #tpu.memory_space<semaphore_mem>>)
    %dma_wait3A_229 = arith.constant 1 : i32
    %dma_wait3A_230 = arith.constant 0 : i32
    %dma_wait3A_231 = tpu.memref_slice %arg6[%dma_wait3A_229, %dma_wait3A_230] : memref<12x8xi32, #tpu.memory_space<vmem>> -> memref<1x8xi32, #tpu.memory_space<vmem>>
    %dma_wait3A_232 = tpu.memref_squeeze %dma_wait3A_231 : memref<1x8xi32, #tpu.memory_space<vmem>> -> memref<8xi32, #tpu.memory_space<vmem>>
    %dma_wait3A_233 = arith.constant 0 : i32
    %dma_wait3A_234 = tpu.memref_slice %arg4[%dma_wait3A_233, %mul3A_2] : memref<100x131072xf32, #tpu.memory_space<hbm>> -> memref<100x4096xf32, #tpu.memory_space<hbm>>
    %dma_wait3A_235 = arith.constant 0 : i32
    %dma_wait3A_236 = arith.constant 0 : i32
    %dma_wait3A_237 = tpu.memref_slice %dma_wait3A_234[%dma_wait3A_235, %dma_wait3A_236] : memref<100x4096xf32, #tpu.memory_space<hbm>> -> memref<100x4096xf32, #tpu.memory_space<hbm>>
    tpu.wait_indirect_dma semaphore(%arg16 : memref<!tpu.dma_semaphore, #tpu.memory_space<semaphore_mem>>) src(%arg9 : memref<8x4096xf32, #tpu.memory_space<vmem>>) dst(%dma_wait3A_237 : memref<100x4096xf32, #tpu.memory_space<hbm>>)
    %dma_start3A_238 = arith.constant 32 : i32
    %dma_start3A_239 = tpu.memref_slice %arg2[%dma_start3A_238, %mul3A_2] : memref<100x131072xf32, #tpu.memory_space<hbm>> -> memref<8x4096xf32, #tpu.memory_space<hbm>>
    %dma_start3A_240 = arith.constant 32 : i32
    %dma_start3A_241 = tpu.memref_slice %arg2[%dma_start3A_240, %mul3A_2] : memref<100x131072xf32, #tpu.memory_space<hbm>> -> memref<8x4096xf32, #tpu.memory_space<hbm>>
    tpu.enqueue_dma source(%dma_start3A_241 : memref<8x4096xf32, #tpu.memory_space<hbm>>) target(%arg9 : memref<8x4096xf32, #tpu.memory_space<vmem>>) target_semaphore(%arg13 : memref<!tpu.dma_semaphore, #tpu.memory_space<semaphore_mem>>)
    %dma_wait3A_242 = arith.constant 24 : i32
    %dma_wait3A_243 = tpu.memref_slice %arg2[%dma_wait3A_242, %mul3A_2] : memref<100x131072xf32, #tpu.memory_space<hbm>> -> memref<8x4096xf32, #tpu.memory_space<hbm>>
    %dma_wait3A_244 = arith.constant 24 : i32
    %dma_wait3A_245 = tpu.memref_slice %arg2[%dma_wait3A_244, %mul3A_2] : memref<100x131072xf32, #tpu.memory_space<hbm>> -> memref<8x4096xf32, #tpu.memory_space<hbm>>
    tpu.wait_dma2 semaphore(%arg12 : memref<!tpu.dma_semaphore, #tpu.memory_space<semaphore_mem>>) src(%dma_wait3A_245 : memref<8x4096xf32, #tpu.memory_space<hbm>>) dst(%arg8 : memref<8x4096xf32, #tpu.memory_space<vmem>>)
    %dma_start3A_246 = arith.constant 3 : i32
    %dma_start3A_247 = arith.constant 0 : i32
    %dma_start3A_248 = tpu.memref_slice %arg6[%dma_start3A_246, %dma_start3A_247] : memref<12x8xi32, #tpu.memory_space<vmem>> -> memref<1x8xi32, #tpu.memory_space<vmem>>
    %dma_start3A_249 = tpu.memref_squeeze %dma_start3A_248 : memref<1x8xi32, #tpu.memory_space<vmem>> -> memref<8xi32, #tpu.memory_space<vmem>>
    %dma_start3A_250 = arith.constant 0 : i32
    %dma_start3A_251 = tpu.memref_slice %arg4[%dma_start3A_250, %mul3A_2] : memref<100x131072xf32, #tpu.memory_space<hbm>> -> memref<100x4096xf32, #tpu.memory_space<hbm>>
    %dma_start3A_252 = arith.constant 0 : i32
    %dma_start3A_253 = arith.constant 0 : i32
    %dma_start3A_254 = tpu.memref_slice %dma_start3A_251[%dma_start3A_252, %dma_start3A_253] : memref<100x4096xf32, #tpu.memory_space<hbm>> -> memref<100x4096xf32, #tpu.memory_space<hbm>>
    tpu.enqueue_indirect_dma source(%arg8 : memref<8x4096xf32, #tpu.memory_space<vmem>>) target(%dma_start3A_254 : memref<100x4096xf32, #tpu.memory_space<hbm>>) offsets(%dma_start3A_249 : memref<8xi32, #tpu.memory_space<vmem>>) semaphore(%arg15 : memref<!tpu.dma_semaphore, #tpu.memory_space<semaphore_mem>>)
    %dma_wait3A_255 = arith.constant 2 : i32
    %dma_wait3A_256 = arith.constant 0 : i32
    %dma_wait3A_257 = tpu.memref_slice %arg6[%dma_wait3A_255, %dma_wait3A_256] : memref<12x8xi32, #tpu.memory_space<vmem>> -> memref<1x8xi32, #tpu.memory_space<vmem>>
    %dma_wait3A_258 = tpu.memref_squeeze %dma_wait3A_257 : memref<1x8xi32, #tpu.memory_space<vmem>> -> memref<8xi32, #tpu.memory_space<vmem>>
    %dma_wait3A_259 = arith.constant 0 : i32
    %dma_wait3A_260 = tpu.memref_slice %arg4[%dma_wait3A_259, %mul3A_2] : memref<100x131072xf32, #tpu.memory_space<hbm>> -> memref<100x4096xf32, #tpu.memory_space<hbm>>
    %dma_wait3A_261 = arith.constant 0 : i32
    %dma_wait3A_262 = arith.constant 0 : i32
    %dma_wait3A_263 = tpu.memref_slice %dma_wait3A_260[%dma_wait3A_261, %dma_wait3A_262] : memref<100x4096xf32, #tpu.memory_space<hbm>> -> memref<100x4096xf32, #tpu.memory_space<hbm>>
    tpu.wait_indirect_dma semaphore(%arg17 : memref<!tpu.dma_semaphore, #tpu.memory_space<semaphore_mem>>) src(%arg10 : memref<8x4096xf32, #tpu.memory_space<vmem>>) dst(%dma_wait3A_263 : memref<100x4096xf32, #tpu.memory_space<hbm>>)
    %dma_start3A_264 = arith.constant 40 : i32
    %dma_start3A_265 = tpu.memref_slice %arg2[%dma_start3A_264, %mul3A_2] : memref<100x131072xf32, #tpu.memory_space<hbm>> -> memref<8x4096xf32, #tpu.memory_space<hbm>>
    %dma_start3A_266 = arith.constant 40 : i32
    %dma_start3A_267 = tpu.memref_slice %arg2[%dma_start3A_266, %mul3A_2] : memref<100x131072xf32, #tpu.memory_space<hbm>> -> memref<8x4096xf32, #tpu.memory_space<hbm>>
    tpu.enqueue_dma source(%dma_start3A_267 : memref<8x4096xf32, #tpu.memory_space<hbm>>) target(%arg10 : memref<8x4096xf32, #tpu.memory_space<vmem>>) target_semaphore(%arg14 : memref<!tpu.dma_semaphore, #tpu.memory_space<semaphore_mem>>)
    %dma_wait3A_268 = arith.constant 32 : i32
    %dma_wait3A_269 = tpu.memref_slice %arg2[%dma_wait3A_268, %mul3A_2] : memref<100x131072xf32, #tpu.memory_space<hbm>> -> memref<8x4096xf32, #tpu.memory_space<hbm>>
    %dma_wait3A_270 = arith.constant 32 : i32
    %dma_wait3A_271 = tpu.memref_slice %arg2[%dma_wait3A_270, %mul3A_2] : memref<100x131072xf32, #tpu.memory_space<hbm>> -> memref<8x4096xf32, #tpu.memory_space<hbm>>
    tpu.wait_dma2 semaphore(%arg13 : memref<!tpu.dma_semaphore, #tpu.memory_space<semaphore_mem>>) src(%dma_wait3A_271 : memref<8x4096xf32, #tpu.memory_space<hbm>>) dst(%arg9 : memref<8x4096xf32, #tpu.memory_space<vmem>>)
    %dma_start3A_272 = arith.constant 4 : i32
    %dma_start3A_273 = arith.constant 0 : i32
    %dma_start3A_274 = tpu.memref_slice %arg6[%dma_start3A_272, %dma_start3A_273] : memref<12x8xi32, #tpu.memory_space<vmem>> -> memref<1x8xi32, #tpu.memory_space<vmem>>
    %dma_start3A_275 = tpu.memref_squeeze %dma_start3A_274 : memref<1x8xi32, #tpu.memory_space<vmem>> -> memref<8xi32, #tpu.memory_space<vmem>>
    %dma_start3A_276 = arith.constant 0 : i32
    %dma_start3A_277 = tpu.memref_slice %arg4[%dma_start3A_276, %mul3A_2] : memref<100x131072xf32, #tpu.memory_space<hbm>> -> memref<100x4096xf32, #tpu.memory_space<hbm>>
    %dma_start3A_278 = arith.constant 0 : i32
    %dma_start3A_279 = arith.constant 0 : i32
    %dma_start3A_280 = tpu.memref_slice %dma_start3A_277[%dma_start3A_278, %dma_start3A_279] : memref<100x4096xf32, #tpu.memory_space<hbm>> -> memref<100x4096xf32, #tpu.memory_space<hbm>>
    tpu.enqueue_indirect_dma source(%arg9 : memref<8x4096xf32, #tpu.memory_space<vmem>>) target(%dma_start3A_280 : memref<100x4096xf32, #tpu.memory_space<hbm>>) offsets(%dma_start3A_275 : memref<8xi32, #tpu.memory_space<vmem>>) semaphore(%arg16 : memref<!tpu.dma_semaphore, #tpu.memory_space<semaphore_mem>>)
    %dma_wait3A_281 = arith.constant 3 : i32
    %dma_wait3A_282 = arith.constant 0 : i32
    %dma_wait3A_283 = tpu.memref_slice %arg6[%dma_wait3A_281, %dma_wait3A_282] : memref<12x8xi32, #tpu.memory_space<vmem>> -> memref<1x8xi32, #tpu.memory_space<vmem>>
    %dma_wait3A_284 = tpu.memref_squeeze %dma_wait3A_283 : memref<1x8xi32, #tpu.memory_space<vmem>> -> memref<8xi32, #tpu.memory_space<vmem>>
    %dma_wait3A_285 = arith.constant 0 : i32
    %dma_wait3A_286 = tpu.memref_slice %arg4[%dma_wait3A_285, %mul3A_2] : memref<100x131072xf32, #tpu.memory_space<hbm>> -> memref<100x4096xf32, #tpu.memory_space<hbm>>
    %dma_wait3A_287 = arith.constant 0 : i32
    %dma_wait3A_288 = arith.constant 0 : i32
    %dma_wait3A_289 = tpu.memref_slice %dma_wait3A_286[%dma_wait3A_287, %dma_wait3A_288] : memref<100x4096xf32, #tpu.memory_space<hbm>> -> memref<100x4096xf32, #tpu.memory_space<hbm>>
    tpu.wait_indirect_dma semaphore(%arg15 : memref<!tpu.dma_semaphore, #tpu.memory_space<semaphore_mem>>) src(%arg8 : memref<8x4096xf32, #tpu.memory_space<vmem>>) dst(%dma_wait3A_289 : memref<100x4096xf32, #tpu.memory_space<hbm>>)
    %dma_start3A_290 = arith.constant 48 : i32
    %dma_start3A_291 = tpu.memref_slice %arg2[%dma_start3A_290, %mul3A_2] : memref<100x131072xf32, #tpu.memory_space<hbm>> -> memref<8x4096xf32, #tpu.memory_space<hbm>>
    %dma_start3A_292 = arith.constant 48 : i32
    %dma_start3A_293 = tpu.memref_slice %arg2[%dma_start3A_292, %mul3A_2] : memref<100x131072xf32, #tpu.memory_space<hbm>> -> memref<8x4096xf32, #tpu.memory_space<hbm>>
    tpu.enqueue_dma source(%dma_start3A_293 : memref<8x4096xf32, #tpu.memory_space<hbm>>) target(%arg8 : memref<8x4096xf32, #tpu.memory_space<vmem>>) target_semaphore(%arg12 : memref<!tpu.dma_semaphore, #tpu.memory_space<semaphore_mem>>)
    %dma_wait3A_294 = arith.constant 40 : i32
    %dma_wait3A_295 = tpu.memref_slice %arg2[%dma_wait3A_294, %mul3A_2] : memref<100x131072xf32, #tpu.memory_space<hbm>> -> memref<8x4096xf32, #tpu.memory_space<hbm>>
    %dma_wait3A_296 = arith.constant 40 : i32
    %dma_wait3A_297 = tpu.memref_slice %arg2[%dma_wait3A_296, %mul3A_2] : memref<100x131072xf32, #tpu.memory_space<hbm>> -> memref<8x4096xf32, #tpu.memory_space<hbm>>
    tpu.wait_dma2 semaphore(%arg14 : memref<!tpu.dma_semaphore, #tpu.memory_space<semaphore_mem>>) src(%dma_wait3A_297 : memref<8x4096xf32, #tpu.memory_space<hbm>>) dst(%arg10 : memref<8x4096xf32, #tpu.memory_space<vmem>>)
    %dma_start3A_298 = arith.constant 5 : i32
    %dma_start3A_299 = arith.constant 0 : i32
    %dma_start3A_300 = tpu.memref_slice %arg6[%dma_start3A_298, %dma_start3A_299] : memref<12x8xi32, #tpu.memory_space<vmem>> -> memref<1x8xi32, #tpu.memory_space<vmem>>
    %dma_start3A_301 = tpu.memref_squeeze %dma_start3A_300 : memref<1x8xi32, #tpu.memory_space<vmem>> -> memref<8xi32, #tpu.memory_space<vmem>>
    %dma_start3A_302 = arith.constant 0 : i32
    %dma_start3A_303 = tpu.memref_slice %arg4[%dma_start3A_302, %mul3A_2] : memref<100x131072xf32, #tpu.memory_space<hbm>> -> memref<100x4096xf32, #tpu.memory_space<hbm>>
    %dma_start3A_304 = arith.constant 0 : i32
    %dma_start3A_305 = arith.constant 0 : i32
    %dma_start3A_306 = tpu.memref_slice %dma_start3A_303[%dma_start3A_304, %dma_start3A_305] : memref<100x4096xf32, #tpu.memory_space<hbm>> -> memref<100x4096xf32, #tpu.memory_space<hbm>>
    tpu.enqueue_indirect_dma source(%arg10 : memref<8x4096xf32, #tpu.memory_space<vmem>>) target(%dma_start3A_306 : memref<100x4096xf32, #tpu.memory_space<hbm>>) offsets(%dma_start3A_301 : memref<8xi32, #tpu.memory_space<vmem>>) semaphore(%arg17 : memref<!tpu.dma_semaphore, #tpu.memory_space<semaphore_mem>>)
    %dma_wait3A_307 = arith.constant 4 : i32
    %dma_wait3A_308 = arith.constant 0 : i32
    %dma_wait3A_309 = tpu.memref_slice %arg6[%dma_wait3A_307, %dma_wait3A_308] : memref<12x8xi32, #tpu.memory_space<vmem>> -> memref<1x8xi32, #tpu.memory_space<vmem>>
    %dma_wait3A_310 = tpu.memref_squeeze %dma_wait3A_309 : memref<1x8xi32, #tpu.memory_space<vmem>> -> memref<8xi32, #tpu.memory_space<vmem>>
    %dma_wait3A_311 = arith.constant 0 : i32
    %dma_wait3A_312 = tpu.memref_slice %arg4[%dma_wait3A_311, %mul3A_2] : memref<100x131072xf32, #tpu.memory_space<hbm>> -> memref<100x4096xf32, #tpu.memory_space<hbm>>
    %dma_wait3A_313 = arith.constant 0 : i32
    %dma_wait3A_314 = arith.constant 0 : i32
    %dma_wait3A_315 = tpu.memref_slice %dma_wait3A_312[%dma_wait3A_313, %dma_wait3A_314] : memref<100x4096xf32, #tpu.memory_space<hbm>> -> memref<100x4096xf32, #tpu.memory_space<hbm>>
    tpu.wait_indirect_dma semaphore(%arg16 : memref<!tpu.dma_semaphore, #tpu.memory_space<semaphore_mem>>) src(%arg9 : memref<8x4096xf32, #tpu.memory_space<vmem>>) dst(%dma_wait3A_315 : memref<100x4096xf32, #tpu.memory_space<hbm>>)
    %dma_start3A_316 = arith.constant 56 : i32
    %dma_start3A_317 = tpu.memref_slice %arg2[%dma_start3A_316, %mul3A_2] : memref<100x131072xf32, #tpu.memory_space<hbm>> -> memref<8x4096xf32, #tpu.memory_space<hbm>>
    %dma_start3A_318 = arith.constant 56 : i32
    %dma_start3A_319 = tpu.memref_slice %arg2[%dma_start3A_318, %mul3A_2] : memref<100x131072xf32, #tpu.memory_space<hbm>> -> memref<8x4096xf32, #tpu.memory_space<hbm>>
    tpu.enqueue_dma source(%dma_start3A_319 : memref<8x4096xf32, #tpu.memory_space<hbm>>) target(%arg9 : memref<8x4096xf32, #tpu.memory_space<vmem>>) target_semaphore(%arg13 : memref<!tpu.dma_semaphore, #tpu.memory_space<semaphore_mem>>)
    %dma_wait3A_320 = arith.constant 48 : i32
    %dma_wait3A_321 = tpu.memref_slice %arg2[%dma_wait3A_320, %mul3A_2] : memref<100x131072xf32, #tpu.memory_space<hbm>> -> memref<8x4096xf32, #tpu.memory_space<hbm>>
    %dma_wait3A_322 = arith.constant 48 : i32
    %dma_wait3A_323 = tpu.memref_slice %arg2[%dma_wait3A_322, %mul3A_2] : memref<100x131072xf32, #tpu.memory_space<hbm>> -> memref<8x4096xf32, #tpu.memory_space<hbm>>
    tpu.wait_dma2 semaphore(%arg12 : memref<!tpu.dma_semaphore, #tpu.memory_space<semaphore_mem>>) src(%dma_wait3A_323 : memref<8x4096xf32, #tpu.memory_space<hbm>>) dst(%arg8 : memref<8x4096xf32, #tpu.memory_space<vmem>>)
    %dma_start3A_324 = arith.constant 6 : i32
    %dma_start3A_325 = arith.constant 0 : i32
    %dma_start3A_326 = tpu.memref_slice %arg6[%dma_start3A_324, %dma_start3A_325] : memref<12x8xi32, #tpu.memory_space<vmem>> -> memref<1x8xi32, #tpu.memory_space<vmem>>
    %dma_start3A_327 = tpu.memref_squeeze %dma_start3A_326 : memref<1x8xi32, #tpu.memory_space<vmem>> -> memref<8xi32, #tpu.memory_space<vmem>>
    %dma_start3A_328 = arith.constant 0 : i32
    %dma_start3A_329 = tpu.memref_slice %arg4[%dma_start3A_328, %mul3A_2] : memref<100x131072xf32, #tpu.memory_space<hbm>> -> memref<100x4096xf32, #tpu.memory_space<hbm>>
    %dma_start3A_330 = arith.constant 0 : i32
    %dma_start3A_331 = arith.constant 0 : i32
    %dma_start3A_332 = tpu.memref_slice %dma_start3A_329[%dma_start3A_330, %dma_start3A_331] : memref<100x4096xf32, #tpu.memory_space<hbm>> -> memref<100x4096xf32, #tpu.memory_space<hbm>>
    tpu.enqueue_indirect_dma source(%arg8 : memref<8x4096xf32, #tpu.memory_space<vmem>>) target(%dma_start3A_332 : memref<100x4096xf32, #tpu.memory_space<hbm>>) offsets(%dma_start3A_327 : memref<8xi32, #tpu.memory_space<vmem>>) semaphore(%arg15 : memref<!tpu.dma_semaphore, #tpu.memory_space<semaphore_mem>>)
    %dma_wait3A_333 = arith.constant 5 : i32
    %dma_wait3A_334 = arith.constant 0 : i32
    %dma_wait3A_335 = tpu.memref_slice %arg6[%dma_wait3A_333, %dma_wait3A_334] : memref<12x8xi32, #tpu.memory_space<vmem>> -> memref<1x8xi32, #tpu.memory_space<vmem>>
    %dma_wait3A_336 = tpu.memref_squeeze %dma_wait3A_335 : memref<1x8xi32, #tpu.memory_space<vmem>> -> memref<8xi32, #tpu.memory_space<vmem>>
    %dma_wait3A_337 = arith.constant 0 : i32
    %dma_wait3A_338 = tpu.memref_slice %arg4[%dma_wait3A_337, %mul3A_2] : memref<100x131072xf32, #tpu.memory_space<hbm>> -> memref<100x4096xf32, #tpu.memory_space<hbm>>
    %dma_wait3A_339 = arith.constant 0 : i32
    %dma_wait3A_340 = arith.constant 0 : i32
    %dma_wait3A_341 = tpu.memref_slice %dma_wait3A_338[%dma_wait3A_339, %dma_wait3A_340] : memref<100x4096xf32, #tpu.memory_space<hbm>> -> memref<100x4096xf32, #tpu.memory_space<hbm>>
    tpu.wait_indirect_dma semaphore(%arg17 : memref<!tpu.dma_semaphore, #tpu.memory_space<semaphore_mem>>) src(%arg10 : memref<8x4096xf32, #tpu.memory_space<vmem>>) dst(%dma_wait3A_341 : memref<100x4096xf32, #tpu.memory_space<hbm>>)
    %dma_start3A_342 = arith.constant 64 : i32
    %dma_start3A_343 = tpu.memref_slice %arg2[%dma_start3A_342, %mul3A_2] : memref<100x131072xf32, #tpu.memory_space<hbm>> -> memref<8x4096xf32, #tpu.memory_space<hbm>>
    %dma_start3A_344 = arith.constant 64 : i32
    %dma_start3A_345 = tpu.memref_slice %arg2[%dma_start3A_344, %mul3A_2] : memref<100x131072xf32, #tpu.memory_space<hbm>> -> memref<8x4096xf32, #tpu.memory_space<hbm>>
    tpu.enqueue_dma source(%dma_start3A_345 : memref<8x4096xf32, #tpu.memory_space<hbm>>) target(%arg10 : memref<8x4096xf32, #tpu.memory_space<vmem>>) target_semaphore(%arg14 : memref<!tpu.dma_semaphore, #tpu.memory_space<semaphore_mem>>)
    %dma_wait3A_346 = arith.constant 56 : i32
    %dma_wait3A_347 = tpu.memref_slice %arg2[%dma_wait3A_346, %mul3A_2] : memref<100x131072xf32, #tpu.memory_space<hbm>> -> memref<8x4096xf32, #tpu.memory_space<hbm>>
    %dma_wait3A_348 = arith.constant 56 : i32
    %dma_wait3A_349 = tpu.memref_slice %arg2[%dma_wait3A_348, %mul3A_2] : memref<100x131072xf32, #tpu.memory_space<hbm>> -> memref<8x4096xf32, #tpu.memory_space<hbm>>
    tpu.wait_dma2 semaphore(%arg13 : memref<!tpu.dma_semaphore, #tpu.memory_space<semaphore_mem>>) src(%dma_wait3A_349 : memref<8x4096xf32, #tpu.memory_space<hbm>>) dst(%arg9 : memref<8x4096xf32, #tpu.memory_space<vmem>>)
    %dma_start3A_350 = arith.constant 7 : i32
    %dma_start3A_351 = arith.constant 0 : i32
    %dma_start3A_352 = tpu.memref_slice %arg6[%dma_start3A_350, %dma_start3A_351] : memref<12x8xi32, #tpu.memory_space<vmem>> -> memref<1x8xi32, #tpu.memory_space<vmem>>
    %dma_start3A_353 = tpu.memref_squeeze %dma_start3A_352 : memref<1x8xi32, #tpu.memory_space<vmem>> -> memref<8xi32, #tpu.memory_space<vmem>>
    %dma_start3A_354 = arith.constant 0 : i32
    %dma_start3A_355 = tpu.memref_slice %arg4[%dma_start3A_354, %mul3A_2] : memref<100x131072xf32, #tpu.memory_space<hbm>> -> memref<100x4096xf32, #tpu.memory_space<hbm>>
    %dma_start3A_356 = arith.constant 0 : i32
    %dma_start3A_357 = arith.constant 0 : i32
    %dma_start3A_358 = tpu.memref_slice %dma_start3A_355[%dma_start3A_356, %dma_start3A_357] : memref<100x4096xf32, #tpu.memory_space<hbm>> -> memref<100x4096xf32, #tpu.memory_space<hbm>>
    tpu.enqueue_indirect_dma source(%arg9 : memref<8x4096xf32, #tpu.memory_space<vmem>>) target(%dma_start3A_358 : memref<100x4096xf32, #tpu.memory_space<hbm>>) offsets(%dma_start3A_353 : memref<8xi32, #tpu.memory_space<vmem>>) semaphore(%arg16 : memref<!tpu.dma_semaphore, #tpu.memory_space<semaphore_mem>>)
    %dma_wait3A_359 = arith.constant 6 : i32
    %dma_wait3A_360 = arith.constant 0 : i32
    %dma_wait3A_361 = tpu.memref_slice %arg6[%dma_wait3A_359, %dma_wait3A_360] : memref<12x8xi32, #tpu.memory_space<vmem>> -> memref<1x8xi32, #tpu.memory_space<vmem>>
    %dma_wait3A_362 = tpu.memref_squeeze %dma_wait3A_361 : memref<1x8xi32, #tpu.memory_space<vmem>> -> memref<8xi32, #tpu.memory_space<vmem>>
    %dma_wait3A_363 = arith.constant 0 : i32
    %dma_wait3A_364 = tpu.memref_slice %arg4[%dma_wait3A_363, %mul3A_2] : memref<100x131072xf32, #tpu.memory_space<hbm>> -> memref<100x4096xf32, #tpu.memory_space<hbm>>
    %dma_wait3A_365 = arith.constant 0 : i32
    %dma_wait3A_366 = arith.constant 0 : i32
    %dma_wait3A_367 = tpu.memref_slice %dma_wait3A_364[%dma_wait3A_365, %dma_wait3A_366] : memref<100x4096xf32, #tpu.memory_space<hbm>> -> memref<100x4096xf32, #tpu.memory_space<hbm>>
    tpu.wait_indirect_dma semaphore(%arg15 : memref<!tpu.dma_semaphore, #tpu.memory_space<semaphore_mem>>) src(%arg8 : memref<8x4096xf32, #tpu.memory_space<vmem>>) dst(%dma_wait3A_367 : memref<100x4096xf32, #tpu.memory_space<hbm>>)
    %dma_start3A_368 = arith.constant 72 : i32
    %dma_start3A_369 = tpu.memref_slice %arg2[%dma_start3A_368, %mul3A_2] : memref<100x131072xf32, #tpu.memory_space<hbm>> -> memref<8x4096xf32, #tpu.memory_space<hbm>>
    %dma_start3A_370 = arith.constant 72 : i32
    %dma_start3A_371 = tpu.memref_slice %arg2[%dma_start3A_370, %mul3A_2] : memref<100x131072xf32, #tpu.memory_space<hbm>> -> memref<8x4096xf32, #tpu.memory_space<hbm>>
    tpu.enqueue_dma source(%dma_start3A_371 : memref<8x4096xf32, #tpu.memory_space<hbm>>) target(%arg8 : memref<8x4096xf32, #tpu.memory_space<vmem>>) target_semaphore(%arg12 : memref<!tpu.dma_semaphore, #tpu.memory_space<semaphore_mem>>)
    %dma_wait3A_372 = arith.constant 64 : i32
    %dma_wait3A_373 = tpu.memref_slice %arg2[%dma_wait3A_372, %mul3A_2] : memref<100x131072xf32, #tpu.memory_space<hbm>> -> memref<8x4096xf32, #tpu.memory_space<hbm>>
    %dma_wait3A_374 = arith.constant 64 : i32
    %dma_wait3A_375 = tpu.memref_slice %arg2[%dma_wait3A_374, %mul3A_2] : memref<100x131072xf32, #tpu.memory_space<hbm>> -> memref<8x4096xf32, #tpu.memory_space<hbm>>
    tpu.wait_dma2 semaphore(%arg14 : memref<!tpu.dma_semaphore, #tpu.memory_space<semaphore_mem>>) src(%dma_wait3A_375 : memref<8x4096xf32, #tpu.memory_space<hbm>>) dst(%arg10 : memref<8x4096xf32, #tpu.memory_space<vmem>>)
    %dma_start3A_376 = arith.constant 8 : i32
    %dma_start3A_377 = arith.constant 0 : i32
    %dma_start3A_378 = tpu.memref_slice %arg6[%dma_start3A_376, %dma_start3A_377] : memref<12x8xi32, #tpu.memory_space<vmem>> -> memref<1x8xi32, #tpu.memory_space<vmem>>
    %dma_start3A_379 = tpu.memref_squeeze %dma_start3A_378 : memref<1x8xi32, #tpu.memory_space<vmem>> -> memref<8xi32, #tpu.memory_space<vmem>>
    %dma_start3A_380 = arith.constant 0 : i32
    %dma_start3A_381 = tpu.memref_slice %arg4[%dma_start3A_380, %mul3A_2] : memref<100x131072xf32, #tpu.memory_space<hbm>> -> memref<100x4096xf32, #tpu.memory_space<hbm>>
    %dma_start3A_382 = arith.constant 0 : i32
    %dma_start3A_383 = arith.constant 0 : i32
    %dma_start3A_384 = tpu.memref_slice %dma_start3A_381[%dma_start3A_382, %dma_start3A_383] : memref<100x4096xf32, #tpu.memory_space<hbm>> -> memref<100x4096xf32, #tpu.memory_space<hbm>>
    tpu.enqueue_indirect_dma source(%arg10 : memref<8x4096xf32, #tpu.memory_space<vmem>>) target(%dma_start3A_384 : memref<100x4096xf32, #tpu.memory_space<hbm>>) offsets(%dma_start3A_379 : memref<8xi32, #tpu.memory_space<vmem>>) semaphore(%arg17 : memref<!tpu.dma_semaphore, #tpu.memory_space<semaphore_mem>>)
    %dma_wait3A_385 = arith.constant 7 : i32
    %dma_wait3A_386 = arith.constant 0 : i32
    %dma_wait3A_387 = tpu.memref_slice %arg6[%dma_wait3A_385, %dma_wait3A_386] : memref<12x8xi32, #tpu.memory_space<vmem>> -> memref<1x8xi32, #tpu.memory_space<vmem>>
    %dma_wait3A_388 = tpu.memref_squeeze %dma_wait3A_387 : memref<1x8xi32, #tpu.memory_space<vmem>> -> memref<8xi32, #tpu.memory_space<vmem>>
    %dma_wait3A_389 = arith.constant 0 : i32
    %dma_wait3A_390 = tpu.memref_slice %arg4[%dma_wait3A_389, %mul3A_2] : memref<100x131072xf32, #tpu.memory_space<hbm>> -> memref<100x4096xf32, #tpu.memory_space<hbm>>
    %dma_wait3A_391 = arith.constant 0 : i32
    %dma_wait3A_392 = arith.constant 0 : i32
    %dma_wait3A_393 = tpu.memref_slice %dma_wait3A_390[%dma_wait3A_391, %dma_wait3A_392] : memref<100x4096xf32, #tpu.memory_space<hbm>> -> memref<100x4096xf32, #tpu.memory_space<hbm>>
    tpu.wait_indirect_dma semaphore(%arg16 : memref<!tpu.dma_semaphore, #tpu.memory_space<semaphore_mem>>) src(%arg9 : memref<8x4096xf32, #tpu.memory_space<vmem>>) dst(%dma_wait3A_393 : memref<100x4096xf32, #tpu.memory_space<hbm>>)
    %dma_start3A_394 = arith.constant 80 : i32
    %dma_start3A_395 = tpu.memref_slice %arg2[%dma_start3A_394, %mul3A_2] : memref<100x131072xf32, #tpu.memory_space<hbm>> -> memref<8x4096xf32, #tpu.memory_space<hbm>>
    %dma_start3A_396 = arith.constant 80 : i32
    %dma_start3A_397 = tpu.memref_slice %arg2[%dma_start3A_396, %mul3A_2] : memref<100x131072xf32, #tpu.memory_space<hbm>> -> memref<8x4096xf32, #tpu.memory_space<hbm>>
    tpu.enqueue_dma source(%dma_start3A_397 : memref<8x4096xf32, #tpu.memory_space<hbm>>) target(%arg9 : memref<8x4096xf32, #tpu.memory_space<vmem>>) target_semaphore(%arg13 : memref<!tpu.dma_semaphore, #tpu.memory_space<semaphore_mem>>)
    %dma_wait3A_398 = arith.constant 72 : i32
    %dma_wait3A_399 = tpu.memref_slice %arg2[%dma_wait3A_398, %mul3A_2] : memref<100x131072xf32, #tpu.memory_space<hbm>> -> memref<8x4096xf32, #tpu.memory_space<hbm>>
    %dma_wait3A_400 = arith.constant 72 : i32
    %dma_wait3A_401 = tpu.memref_slice %arg2[%dma_wait3A_400, %mul3A_2] : memref<100x131072xf32, #tpu.memory_space<hbm>> -> memref<8x4096xf32, #tpu.memory_space<hbm>>
    tpu.wait_dma2 semaphore(%arg12 : memref<!tpu.dma_semaphore, #tpu.memory_space<semaphore_mem>>) src(%dma_wait3A_401 : memref<8x4096xf32, #tpu.memory_space<hbm>>) dst(%arg8 : memref<8x4096xf32, #tpu.memory_space<vmem>>)
    %dma_start3A_402 = arith.constant 9 : i32
    %dma_start3A_403 = arith.constant 0 : i32
    %dma_start3A_404 = tpu.memref_slice %arg6[%dma_start3A_402, %dma_start3A_403] : memref<12x8xi32, #tpu.memory_space<vmem>> -> memref<1x8xi32, #tpu.memory_space<vmem>>
    %dma_start3A_405 = tpu.memref_squeeze %dma_start3A_404 : memref<1x8xi32, #tpu.memory_space<vmem>> -> memref<8xi32, #tpu.memory_space<vmem>>
    %dma_start3A_406 = arith.constant 0 : i32
    %dma_start3A_407 = tpu.memref_slice %arg4[%dma_start3A_406, %mul3A_2] : memref<100x131072xf32, #tpu.memory_space<hbm>> -> memref<100x4096xf32, #tpu.memory_space<hbm>>
    %dma_start3A_408 = arith.constant 0 : i32
    %dma_start3A_409 = arith.constant 0 : i32
    %dma_start3A_410 = tpu.memref_slice %dma_start3A_407[%dma_start3A_408, %dma_start3A_409] : memref<100x4096xf32, #tpu.memory_space<hbm>> -> memref<100x4096xf32, #tpu.memory_space<hbm>>
    tpu.enqueue_indirect_dma source(%arg8 : memref<8x4096xf32, #tpu.memory_space<vmem>>) target(%dma_start3A_410 : memref<100x4096xf32, #tpu.memory_space<hbm>>) offsets(%dma_start3A_405 : memref<8xi32, #tpu.memory_space<vmem>>) semaphore(%arg15 : memref<!tpu.dma_semaphore, #tpu.memory_space<semaphore_mem>>)
    %dma_wait3A_411 = arith.constant 8 : i32
    %dma_wait3A_412 = arith.constant 0 : i32
    %dma_wait3A_413 = tpu.memref_slice %arg6[%dma_wait3A_411, %dma_wait3A_412] : memref<12x8xi32, #tpu.memory_space<vmem>> -> memref<1x8xi32, #tpu.memory_space<vmem>>
    %dma_wait3A_414 = tpu.memref_squeeze %dma_wait3A_413 : memref<1x8xi32, #tpu.memory_space<vmem>> -> memref<8xi32, #tpu.memory_space<vmem>>
    %dma_wait3A_415 = arith.constant 0 : i32
    %dma_wait3A_416 = tpu.memref_slice %arg4[%dma_wait3A_415, %mul3A_2] : memref<100x131072xf32, #tpu.memory_space<hbm>> -> memref<100x4096xf32, #tpu.memory_space<hbm>>
    %dma_wait3A_417 = arith.constant 0 : i32
    %dma_wait3A_418 = arith.constant 0 : i32
    %dma_wait3A_419 = tpu.memref_slice %dma_wait3A_416[%dma_wait3A_417, %dma_wait3A_418] : memref<100x4096xf32, #tpu.memory_space<hbm>> -> memref<100x4096xf32, #tpu.memory_space<hbm>>
    tpu.wait_indirect_dma semaphore(%arg17 : memref<!tpu.dma_semaphore, #tpu.memory_space<semaphore_mem>>) src(%arg10 : memref<8x4096xf32, #tpu.memory_space<vmem>>) dst(%dma_wait3A_419 : memref<100x4096xf32, #tpu.memory_space<hbm>>)
    %dma_start3A_420 = arith.constant 88 : i32
    %dma_start3A_421 = tpu.memref_slice %arg2[%dma_start3A_420, %mul3A_2] : memref<100x131072xf32, #tpu.memory_space<hbm>> -> memref<8x4096xf32, #tpu.memory_space<hbm>>
    %dma_start3A_422 = arith.constant 88 : i32
    %dma_start3A_423 = tpu.memref_slice %arg2[%dma_start3A_422, %mul3A_2] : memref<100x131072xf32, #tpu.memory_space<hbm>> -> memref<8x4096xf32, #tpu.memory_space<hbm>>
    tpu.enqueue_dma source(%dma_start3A_423 : memref<8x4096xf32, #tpu.memory_space<hbm>>) target(%arg10 : memref<8x4096xf32, #tpu.memory_space<vmem>>) target_semaphore(%arg14 : memref<!tpu.dma_semaphore, #tpu.memory_space<semaphore_mem>>)
    %dma_wait3A_424 = arith.constant 80 : i32
    %dma_wait3A_425 = tpu.memref_slice %arg2[%dma_wait3A_424, %mul3A_2] : memref<100x131072xf32, #tpu.memory_space<hbm>> -> memref<8x4096xf32, #tpu.memory_space<hbm>>
    %dma_wait3A_426 = arith.constant 80 : i32
    %dma_wait3A_427 = tpu.memref_slice %arg2[%dma_wait3A_426, %mul3A_2] : memref<100x131072xf32, #tpu.memory_space<hbm>> -> memref<8x4096xf32, #tpu.memory_space<hbm>>
    tpu.wait_dma2 semaphore(%arg13 : memref<!tpu.dma_semaphore, #tpu.memory_space<semaphore_mem>>) src(%dma_wait3A_427 : memref<8x4096xf32, #tpu.memory_space<hbm>>) dst(%arg9 : memref<8x4096xf32, #tpu.memory_space<vmem>>)
    %dma_start3A_428 = arith.constant 10 : i32
    %dma_start3A_429 = arith.constant 0 : i32
    %dma_start3A_430 = tpu.memref_slice %arg6[%dma_start3A_428, %dma_start3A_429] : memref<12x8xi32, #tpu.memory_space<vmem>> -> memref<1x8xi32, #tpu.memory_space<vmem>>
    %dma_start3A_431 = tpu.memref_squeeze %dma_start3A_430 : memref<1x8xi32, #tpu.memory_space<vmem>> -> memref<8xi32, #tpu.memory_space<vmem>>
    %dma_start3A_432 = arith.constant 0 : i32
    %dma_start3A_433 = tpu.memref_slice %arg4[%dma_start3A_432, %mul3A_2] : memref<100x131072xf32, #tpu.memory_space<hbm>> -> memref<100x4096xf32, #tpu.memory_space<hbm>>
    %dma_start3A_434 = arith.constant 0 : i32
    %dma_start3A_435 = arith.constant 0 : i32
    %dma_start3A_436 = tpu.memref_slice %dma_start3A_433[%dma_start3A_434, %dma_start3A_435] : memref<100x4096xf32, #tpu.memory_space<hbm>> -> memref<100x4096xf32, #tpu.memory_space<hbm>>
    tpu.enqueue_indirect_dma source(%arg9 : memref<8x4096xf32, #tpu.memory_space<vmem>>) target(%dma_start3A_436 : memref<100x4096xf32, #tpu.memory_space<hbm>>) offsets(%dma_start3A_431 : memref<8xi32, #tpu.memory_space<vmem>>) semaphore(%arg16 : memref<!tpu.dma_semaphore, #tpu.memory_space<semaphore_mem>>)
    %dma_wait3A_437 = arith.constant 9 : i32
    %dma_wait3A_438 = arith.constant 0 : i32
    %dma_wait3A_439 = tpu.memref_slice %arg6[%dma_wait3A_437, %dma_wait3A_438] : memref<12x8xi32, #tpu.memory_space<vmem>> -> memref<1x8xi32, #tpu.memory_space<vmem>>
    %dma_wait3A_440 = tpu.memref_squeeze %dma_wait3A_439 : memref<1x8xi32, #tpu.memory_space<vmem>> -> memref<8xi32, #tpu.memory_space<vmem>>
    %dma_wait3A_441 = arith.constant 0 : i32
    %dma_wait3A_442 = tpu.memref_slice %arg4[%dma_wait3A_441, %mul3A_2] : memref<100x131072xf32, #tpu.memory_space<hbm>> -> memref<100x4096xf32, #tpu.memory_space<hbm>>
    %dma_wait3A_443 = arith.constant 0 : i32
    %dma_wait3A_444 = arith.constant 0 : i32
    %dma_wait3A_445 = tpu.memref_slice %dma_wait3A_442[%dma_wait3A_443, %dma_wait3A_444] : memref<100x4096xf32, #tpu.memory_space<hbm>> -> memref<100x4096xf32, #tpu.memory_space<hbm>>
    tpu.wait_indirect_dma semaphore(%arg15 : memref<!tpu.dma_semaphore, #tpu.memory_space<semaphore_mem>>) src(%arg8 : memref<8x4096xf32, #tpu.memory_space<vmem>>) dst(%dma_wait3A_445 : memref<100x4096xf32, #tpu.memory_space<hbm>>)
    %dma_start3A_446 = arith.constant 96 : i32
    %dma_start3A_447 = tpu.memref_slice %arg2[%dma_start3A_446, %mul3A_2] : memref<100x131072xf32, #tpu.memory_space<hbm>> -> memref<4x4096xf32, #tpu.memory_space<hbm>>
    %dma_start3A_448 = arith.constant 96 : i32
    %dma_start3A_449 = tpu.memref_slice %arg2[%dma_start3A_448, %mul3A_2] : memref<100x131072xf32, #tpu.memory_space<hbm>> -> memref<4x4096xf32, #tpu.memory_space<hbm>>
    tpu.enqueue_dma source(%dma_start3A_449 : memref<4x4096xf32, #tpu.memory_space<hbm>>) target(%arg11 : memref<4x4096xf32, #tpu.memory_space<vmem>>) target_semaphore(%arg12 : memref<!tpu.dma_semaphore, #tpu.memory_space<semaphore_mem>>)
    %dma_wait3A_450 = arith.constant 88 : i32
    %dma_wait3A_451 = tpu.memref_slice %arg2[%dma_wait3A_450, %mul3A_2] : memref<100x131072xf32, #tpu.memory_space<hbm>> -> memref<8x4096xf32, #tpu.memory_space<hbm>>
    %dma_wait3A_452 = arith.constant 88 : i32
    %dma_wait3A_453 = tpu.memref_slice %arg2[%dma_wait3A_452, %mul3A_2] : memref<100x131072xf32, #tpu.memory_space<hbm>> -> memref<8x4096xf32, #tpu.memory_space<hbm>>
    tpu.wait_dma2 semaphore(%arg14 : memref<!tpu.dma_semaphore, #tpu.memory_space<semaphore_mem>>) src(%dma_wait3A_453 : memref<8x4096xf32, #tpu.memory_space<hbm>>) dst(%arg10 : memref<8x4096xf32, #tpu.memory_space<vmem>>)
    %dma_start3A_454 = arith.constant 11 : i32
    %dma_start3A_455 = arith.constant 0 : i32
    %dma_start3A_456 = tpu.memref_slice %arg6[%dma_start3A_454, %dma_start3A_455] : memref<12x8xi32, #tpu.memory_space<vmem>> -> memref<1x8xi32, #tpu.memory_space<vmem>>
    %dma_start3A_457 = tpu.memref_squeeze %dma_start3A_456 : memref<1x8xi32, #tpu.memory_space<vmem>> -> memref<8xi32, #tpu.memory_space<vmem>>
    %dma_start3A_458 = arith.constant 0 : i32
    %dma_start3A_459 = tpu.memref_slice %arg4[%dma_start3A_458, %mul3A_2] : memref<100x131072xf32, #tpu.memory_space<hbm>> -> memref<100x4096xf32, #tpu.memory_space<hbm>>
    %dma_start3A_460 = arith.constant 0 : i32
    %dma_start3A_461 = arith.constant 0 : i32
    %dma_start3A_462 = tpu.memref_slice %dma_start3A_459[%dma_start3A_460, %dma_start3A_461] : memref<100x4096xf32, #tpu.memory_space<hbm>> -> memref<100x4096xf32, #tpu.memory_space<hbm>>
    tpu.enqueue_indirect_dma source(%arg10 : memref<8x4096xf32, #tpu.memory_space<vmem>>) target(%dma_start3A_462 : memref<100x4096xf32, #tpu.memory_space<hbm>>) offsets(%dma_start3A_457 : memref<8xi32, #tpu.memory_space<vmem>>) semaphore(%arg17 : memref<!tpu.dma_semaphore, #tpu.memory_space<semaphore_mem>>)
    %dma_wait3A_463 = arith.constant 96 : i32
    %dma_wait3A_464 = tpu.memref_slice %arg2[%dma_wait3A_463, %mul3A_2] : memref<100x131072xf32, #tpu.memory_space<hbm>> -> memref<4x4096xf32, #tpu.memory_space<hbm>>
    %dma_wait3A_465 = arith.constant 96 : i32
    %dma_wait3A_466 = tpu.memref_slice %arg2[%dma_wait3A_465, %mul3A_2] : memref<100x131072xf32, #tpu.memory_space<hbm>> -> memref<4x4096xf32, #tpu.memory_space<hbm>>
    tpu.wait_dma2 semaphore(%arg12 : memref<!tpu.dma_semaphore, #tpu.memory_space<semaphore_mem>>) src(%dma_wait3A_466 : memref<4x4096xf32, #tpu.memory_space<hbm>>) dst(%arg11 : memref<4x4096xf32, #tpu.memory_space<vmem>>)
    %dma_start3A_467 = arith.constant 0 : i32
    %dma_start3A_468 = tpu.memref_slice %arg4[%dma_start3A_467, %mul3A_2] : memref<100x131072xf32, #tpu.memory_space<hbm>> -> memref<100x4096xf32, #tpu.memory_space<hbm>>
    %dma_start3A_469 = arith.constant 0 : i32
    %dma_start3A_470 = arith.constant 0 : i32
    %dma_start3A_471 = tpu.memref_slice %dma_start3A_468[%dma_start3A_469, %dma_start3A_470] : memref<100x4096xf32, #tpu.memory_space<hbm>> -> memref<100x4096xf32, #tpu.memory_space<hbm>>
    tpu.enqueue_indirect_dma source(%arg11 : memref<4x4096xf32, #tpu.memory_space<vmem>>) target(%dma_start3A_471 : memref<100x4096xf32, #tpu.memory_space<hbm>>) offsets(%arg7 : memref<4xi32, #tpu.memory_space<vmem>>) semaphore(%arg15 : memref<!tpu.dma_semaphore, #tpu.memory_space<semaphore_mem>>)
    %dma_wait3A_472 = arith.constant 0 : i32
    %dma_wait3A_473 = tpu.memref_slice %arg4[%dma_wait3A_472, %mul3A_2] : memref<100x131072xf32, #tpu.memory_space<hbm>> -> memref<100x4096xf32, #tpu.memory_space<hbm>>
    %dma_wait3A_474 = arith.constant 0 : i32
    %dma_wait3A_475 = arith.constant 0 : i32
    %dma_wait3A_476 = tpu.memref_slice %dma_wait3A_473[%dma_wait3A_474, %dma_wait3A_475] : memref<100x4096xf32, #tpu.memory_space<hbm>> -> memref<100x4096xf32, #tpu.memory_space<hbm>>
    tpu.wait_indirect_dma semaphore(%arg15 : memref<!tpu.dma_semaphore, #tpu.memory_space<semaphore_mem>>) src(%arg11 : memref<4x4096xf32, #tpu.memory_space<vmem>>) dst(%dma_wait3A_476 : memref<100x4096xf32, #tpu.memory_space<hbm>>)
    %dma_wait3A_477 = arith.constant 10 : i32
    %dma_wait3A_478 = arith.constant 0 : i32
    %dma_wait3A_479 = tpu.memref_slice %arg6[%dma_wait3A_477, %dma_wait3A_478] : memref<12x8xi32, #tpu.memory_space<vmem>> -> memref<1x8xi32, #tpu.memory_space<vmem>>
    %dma_wait3A_480 = tpu.memref_squeeze %dma_wait3A_479 : memref<1x8xi32, #tpu.memory_space<vmem>> -> memref<8xi32, #tpu.memory_space<vmem>>
    %dma_wait3A_481 = arith.constant 0 : i32
    %dma_wait3A_482 = tpu.memref_slice %arg4[%dma_wait3A_481, %mul3A_2] : memref<100x131072xf32, #tpu.memory_space<hbm>> -> memref<100x4096xf32, #tpu.memory_space<hbm>>
    %dma_wait3A_483 = arith.constant 0 : i32
    %dma_wait3A_484 = arith.constant 0 : i32
    %dma_wait3A_485 = tpu.memref_slice %dma_wait3A_482[%dma_wait3A_483, %dma_wait3A_484] : memref<100x4096xf32, #tpu.memory_space<hbm>> -> memref<100x4096xf32, #tpu.memory_space<hbm>>
    tpu.wait_indirect_dma semaphore(%arg16 : memref<!tpu.dma_semaphore, #tpu.memory_space<semaphore_mem>>) src(%arg9 : memref<8x4096xf32, #tpu.memory_space<vmem>>) dst(%dma_wait3A_485 : memref<100x4096xf32, #tpu.memory_space<hbm>>)
    %dma_wait3A_486 = arith.constant 11 : i32
    %dma_wait3A_487 = arith.constant 0 : i32
    %dma_wait3A_488 = tpu.memref_slice %arg6[%dma_wait3A_486, %dma_wait3A_487] : memref<12x8xi32, #tpu.memory_space<vmem>> -> memref<1x8xi32, #tpu.memory_space<vmem>>
    %dma_wait3A_489 = tpu.memref_squeeze %dma_wait3A_488 : memref<1x8xi32, #tpu.memory_space<vmem>> -> memref<8xi32, #tpu.memory_space<vmem>>
    %dma_wait3A_490 = arith.constant 0 : i32
    %dma_wait3A_491 = tpu.memref_slice %arg4[%dma_wait3A_490, %mul3A_2] : memref<100x131072xf32, #tpu.memory_space<hbm>> -> memref<100x4096xf32, #tpu.memory_space<hbm>>
    %dma_wait3A_492 = arith.constant 0 : i32
    %dma_wait3A_493 = arith.constant 0 : i32
    %dma_wait3A_494 = tpu.memref_slice %dma_wait3A_491[%dma_wait3A_492, %dma_wait3A_493] : memref<100x4096xf32, #tpu.memory_space<hbm>> -> memref<100x4096xf32, #tpu.memory_space<hbm>>
    tpu.wait_indirect_dma semaphore(%arg17 : memref<!tpu.dma_semaphore, #tpu.memory_space<semaphore_mem>>) src(%arg10 : memref<8x4096xf32, #tpu.memory_space<vmem>>) dst(%dma_wait3A_494 : memref<100x4096xf32, #tpu.memory_space<hbm>>)
    return
  }
}

</mosaic_0001>

<sc_bundles>
// kernel: kernel.3.cloned.1.call-start
scs
__scs_entry_jumppad:
0x0: {  	(pc) =	sbr.rel $0x88, $3  }
0x1: {  	(tag) =	ssettag $0x0;
	lr =	simm.s32 $0x1  }
0x2: {  	[smem:$0x3F9F] =	sst lr;
	_ =	strace $0xD0000000  }
0x3: {  	_ = 	snop  }
0x4: {  	_ = 	snop  }
0x5: {  	_ = 	snop  }
0x6: {  	_ = 	snop  }
0x7: {  	_ = 	snop  }
__scs_overlays_trampoline_lowered:
0x8: {  	[smem:$0x3FAE] =	sst s0  }
0x9: {  	[smem:$0x3FAF] =	sst s1  }
0xa: {  	[smem:$0x3FB0] =	sst s2  }
0xb: {  	[smem:$0x3FB1] =	sst s3  }
0xc: {  	[smem:$0x3FB2] =	sst s4  }
0xd: {  	[smem:$0x3FB3] =	sst s5  }
0xe: {  	[smem:$0x3FB4] =	sst s6  }
0xf: {  	[smem:$0x3FB5] =	sst s7  }
0x10: {  	[smem:$0x3FB6] =	sst s8  }
0x11: {  	[smem:$0x3FB7] =	sst s9;
	s0 =	simm.s32 @!p0 $0x0  }
0x12: {  	s1 =	sld [smem:$0x3F9D];
	s0 =	simm.s32 @p0 $0x1  }
0x13: {  	[smem:$0x3FB8] =	sst s0;
	s0 =	simm.s32 @!p1 $0x0  }
0x14: {  	s2 =	sld [smem:$0x3F9C];
	s0 =	simm.s32 @p1 $0x1  }
0x15: {  	[smem:$0x3FB9] =	sst s0;
	s0 =	simm.s32 @!p2 $0x0  }
0x16: {  	s3 =	sld [smem:$0x3FDB];
	s0 =	simm.s32 @p2 $0x1  }
0x17: {  	s4 =	simm.s32 $0x1BF5;
	[smem:$0x3FBB] =	sst s0  }
0x18: {  	s0 =	sld [smem:$0x3F9E];
	_ =	swait.ge [sflag:s4], $0x0  }
0x19: {  	s7 =	sld [smem:$0x3F9F]  }
0x1a: {  	s8 =	sadd.s32 $0xFFFFE003, lr  }
0x1b: {  	s9 =	sadd.s32 $0xFFFFFEF7, lr;
	s5 =	simm.s32 $0xFFFFFFFF;
	p2 =	slt.u32 s8, $0xFFFFF086  }
0x1c: {  	p1 =	slt.u32 s9, $0xF7A;
	s5 =	simm.s32 @!p2 $0x0  }
0x1d: {  	s5 =	simm.s32 @p1 $0x1;
	p0 =	seq.s32 s7, s2  }
0x1e: {  	s7 =	smul.u32 @!p0 $0xF7A, s2;
	p2 =	seq.s32 @!p0 s5, $0x0  }
0x1f: {  	s9 =	smul.u32 $0xF7A, s1;
	s8 =	simm.s32 @!p0 $0x1BF5;
	p2 =	por !p2, p0  }
0x20: {  	[sflag:s8] =	ssyncset.s32 @!p0 $0xFFFFF086;
	s6 =	sadd.s32 @!p0 s3, s7;
	s7 =	simm.s32 @!p0 $0x108  }
0x21: {  	s3 =	sadd.s32 s3, s9;
	s6 =	sadd.s32 @!p0 $0x88, s6;
	s7 =	simm.s32 @p2 $0x1082  }
0x22: {  	[simem:s7], [sflag:s8] =	dma.local @!p0 [hbm:s6], $0xF7A  }
0x23: {  	s9 =	sor.u32 $0xD0000000, s2;
	s6 =	simm.s32 $0x108;
	_ =	swait.ge @!p0 [sflag:s8], $0x0  }
0x24: {  	s3 =	sadd.s32 $0x88, s3;
	s6 =	simm.s32 @!p1 $0x1082;
	[sflag:s4] =	ssyncset.s32 $0xFFFFF086  }
0x25: {  	[simem:s6], [sflag:s4] =	dma.local [hbm:s3], $0xF7A  }
0x26: {  	[smem:$0x3F9F] =	sst s1;
	(tag) =	ssettag s2;
	_ =	strace s9  }
0x27: {  	s1 =	sld [smem:$0x3FAF]  }
0x28: {  	s2 =	sld [smem:$0x3FB0]  }
0x29: {  	s4 =	sld [smem:$0x3FB2]  }
0x2a: {  	p0 =	seq.s32 s5, $0x0;
	s5 =	sld [smem:$0x3FB3]  }
0x2b: {  	s6 =	sld [smem:$0x3FB4]  }
0x2c: {  	s7 =	sld [smem:$0x3FB5]  }
0x2d: {  	s3 =	simm.s32 $0x108;
	s8 =	sld [smem:$0x3FB6]  }
0x2e: {  	s3 =	simm.s32 @!p0 $0x1082;
	s9 =	sld [smem:$0x3FB7]  }
0x2f: {  	lr =	sadd.s32 s0, s3;
	s0 =	sld [smem:$0x3FAE]  }
0x30: {  	s3 =	sld [smem:$0x3FB1]  }
0x31: {  	[smem:$0x3FBA] =	sst s10  }
0x32: {  	s10 =	sld [smem:$0x3FB8];
	_ =	sdelay $0x3  }
0x33: {  	p0 =	seq.s32 s10, $0x1;
	s10 =	sld [smem:$0x3FBA];
	_ =	sdelay $0x3  }
0x34: {  	[smem:$0x3FBA] =	sst s10  }
0x35: {  	s10 =	sld [smem:$0x3FB9];
	_ =	sdelay $0x3  }
0x36: {  	p1 =	seq.s32 s10, $0x1;
	s10 =	sld [smem:$0x3FBA];
	_ =	sdelay $0x3  }
0x37: {  	[smem:$0x3FBA] =	sst s10  }
0x38: {  	s10 =	sld [smem:$0x3FBB]  }
0x39: {  	_ = 	snop;
	(pc) =	sbr.ind lr, $3  }
0x3a: {  	_ = 	snop  }
0x3b: {  	_ = 	snop  }
0x3c: {  	p2 =	seq.s32 s10, $0x1;
	s10 =	sld [smem:$0x3FBA]  }
0x3d: {  	_ =	shalt  }
0x3e: {  	_ =	shalt  }
0x3f: {  	_ =	shalt  }
0x40: {  	_ =	shalt  }
0x41: {  	_ =	shalt  }
0x42: {  	_ =	shalt  }
0x43: {  	_ =	shalt  }
0x44: {  	_ =	shalt  }
0x45: {  	_ =	shalt  }
0x46: {  	_ =	shalt  }
0x47: {  	_ =	shalt  }
0x48: {  	_ =	shalt  }
0x49: {  	_ =	shalt  }
0x4a: {  	_ =	shalt  }
0x4b: {  	_ =	shalt  }
0x4c: {  	_ =	shalt  }
0x4d: {  	_ =	shalt  }
0x4e: {  	_ =	shalt  }
0x4f: {  	_ =	shalt  }
0x50: {  	_ =	shalt  }
0x51: {  	_ =	shalt  }
0x52: {  	_ =	shalt  }
0x53: {  	_ =	shalt  }
0x54: {  	_ =	shalt  }
0x55: {  	_ =	shalt  }
0x56: {  	_ =	shalt  }
0x57: {  	_ =	shalt  }
0x58: {  	_ =	shalt  }
0x59: {  	_ =	shalt  }
0x5a: {  	_ =	shalt  }
0x5b: {  	_ =	shalt  }
0x5c: {  	_ =	shalt  }
0x5d: {  	_ =	shalt  }
0x5e: {  	_ =	shalt  }
0x5f: {  	_ =	shalt  }
0x60: {  	_ =	shalt  }
0x61: {  	_ =	shalt  }
0x62: {  	_ =	shalt  }
0x63: {  	_ =	shalt  }
0x64: {  	_ =	shalt  }
0x65: {  	_ =	shalt  }
0x66: {  	_ =	shalt  }
0x67: {  	_ =	shalt  }
0x68: {  	_ =	shalt  }
0x69: {  	_ =	shalt  }
0x6a: {  	_ =	shalt  }
0x6b: {  	_ =	shalt  }
0x6c: {  	_ =	shalt  }
0x6d: {  	_ =	shalt  }
0x6e: {  	_ =	shalt  }
0x6f: {  	_ =	shalt  }
0x70: {  	_ =	shalt  }
0x71: {  	_ =	shalt  }
0x72: {  	_ =	shalt  }
0x73: {  	_ =	shalt  }
0x74: {  	_ =	shalt  }
0x75: {  	_ =	shalt  }
0x76: {  	_ =	shalt  }
0x77: {  	_ =	shalt  }
0x78: {  	_ =	shalt  }
0x79: {  	_ =	shalt  }
0x7a: {  	_ =	shalt  }
0x7b: {  	_ =	shalt  }
0x7c: {  	_ =	shalt  }
0x7d: {  	_ =	shalt  }
0x7e: {  	_ =	shalt  }
0x7f: {  	_ =	shalt  }
0x80: {  	_ =	shalt  }
0x81: {  	_ =	shalt  }
0x82: {  	_ =	shalt  }
0x83: {  	_ =	shalt  }
0x84: {  	_ =	shalt  }
0x85: {  	_ =	shalt  }
0x86: {  	_ =	shalt  }
0x87: {  	_ =	shalt  }
.Lfunc_end0:
.L_simem_size_0:
called_computation_lowered:
.L_overlay_start_0:
0x88: {  	s2 =	sld [smem:$0x3FD9]  }
0x89: {  	s3 =	sld [smem:$0x3FFE];
	_ =	sdelay $0x1  }
0x8a: {  	s1 =	srdreg.scid  }
0x8b: {  	s0 =	sand.u32 $0x1, s1  }
0x8c: {  	s18 =	sshll.u32 s0, $0xA;
	s2 =	sadd.s32 s3, s2  }
0x8d: {  	s2 =	sadd.s32 s2, s18  }
0x8e: {  	[smem:$0x3FC6] =	sst s2  }
0x8f: {  	_ = 	snop  }
0x90: {  	s2 =	sld [smem:$0x3FC9]  }
0x91: {  	s19 =	sld [smem:$0x3FC8]  }
0x92: {  	s4 =	sld [smem:$0x3FD0];
	(tm) =	ssettm $0x1  }
0x93: {  	s5 =	sld [smem:$0x3FFB];
	_ =	sdelay $0x3  }
0x94: {  	_ =	strace s5  }
0x95: {  	s5 =	sld [smem:$0x3FFC];
	_ =	sdelay $0x3  }
0x96: {  	_ =	strace s5  }
0x97: {  	s5 =	sld [smem:$0x3FFD];
	_ =	sdelay $0x3  }
0x98: {  	_ =	strace s5  }
0x99: {  	_ =	strace $0x8FFFFFFF  }
0x9a: {  	s20 =	sld [smem:$0x3FDB];
	_ =	sdelay $0x1  }
0x9b: {  	s6 =	simm.s32 $_scs_section_size  }
0x9c: {  	s7 =	simm.s32 $_size__tile_overlayer_lowered;
	s8 =	simm.s32 $_tile_overlayer_lowered  }
0x9d: {  	s23 =	simm.s32 $0x1BFF;
	s22 =	sshll.u32 s8, $0x1;
	s5 =	sadd.s32 s6, s20  }
0x9e: {  	s9 =	simm.s32 $0x0;
	s21 =	sshll.u32 s7, $0x1;
	s7 =	sadd.s32 s22, s5  }
0x9f: {  	[timem:s9], [sflag:s23] =	dma.local [hbm:s7], s21  }
0xa0: {  	_ =	swait.ge [sflag:s23], s21  }
0xa1: {  	s6 =	ssub.s32 $0x0, s21;
	[sflag:s23] =	ssyncset.done $0x0  }
0xa2: {  	[sflag:s23] =	ssyncadd.s32 s6;
	_ =	sdelay $0x1  }
0xa3: {  	s24 =	simm.s32 $0x1B8B  }
0xa4: {  	_ =	swait.ge [sflag:s24], $0x1  }
0xa5: {  	[sflag:s24] =	ssyncset.done $0x0  }
0xa6: {  	s25 =	simm.s32 $0x1B8E;
	[sflag:s24] =	ssyncadd.s32 $0xFFFFFFFF  }
0xa7: {  	s26 =	simm.s32 $execute0_lowered;
	[smem:$0x3FD2] =	sst s25  }
0xa8: {  	s6 =	sshll.u32 s26, $0x1;
	_ =	strace $0x80000046;
	[dreg:$0x1] =	wrdreg $0xFFFFFFFF  }
0xa9: {  	s28 =	simm.s32 $_size_execute0_lowered;
	s5 =	sadd.s32 s5, s6;
	[dreg:$0x0] =	wrdreg $0x0  }
0xaa: {  	s6 =	sshll.u32 s28, $0x1;
	[dreg:$0x2] =	wrdreg s5  }
0xab: {  	[dreg:$0x3] =	wrdreg s6  }
0xac: {  	[dreg:$0x4] =	wrdreg $0xC0  }
0xad: {  	_ =	task [dreg:s9], $0x5FFFF  }
0xae: {  	[dreg:$0x1] =	wrdreg $0xFFFFFFFF  }
0xaf: {  	[dreg:$0x0] =	wrdreg $0x60  }
0xb0: {  	[dreg:$0x2] =	wrdreg s2  }
0xb1: {  	[dreg:$0x3] =	wrdreg s19  }
0xb2: {  	[dreg:$0x4] =	wrdreg s4  }
0xb3: {  	[dreg:$0x5] =	wrdreg $0x9  }
0xb4: {  	_ =	task.clear_ibuf [dreg:s9], $0x6FFFF;
	_ =	strace $0x90000046  }
0xb5: {  	s29 =	simm.s32 $0x9;
	_ =	strace $0x80000048  }
0xb6: {  	_ =	swait.ge [sflag:s29], $0x1  }
0xb7: {  	[sflag:s29] =	ssyncadd.s32 $0xFFFFFFFF  }
0xb8: {  	_ =	strace $0x90000048  }
0xb9: {  	_ =	sfence  }
0xba: {  	s30 =	sld [smem:$0x0];
	_ =	sdelay $0x2  }
0xbb: {  	s31 =	sshll.u32 s1, $0xD;
	s1 =	sshrl.u32 s1, $0x2  }
0xbc: {  	s3 =	sand.u32 $0x4000, s31;
	s1 =	sadd.s32 s1, s30  }
0xbd: {  	s0 =	sor.u32 s3, s0;
	s1 =	sshll.u32 s1, $0x11  }
0xbe: {  	s0 =	sor.u32 s1, s0  }
0xbf: {  	s0 =	sadd.s32 $0x8F2B, s0  }
0xc0: {  	[sflag:s0] =	ssyncadd.remote.s32 $0x1  }
0xc1: {  	_ =	sfence.sel $0xFFFF  }
0xc2: {  	[dreg:$0x0] =	wrdreg $0xFFFFFFFF;
	(pc) =	sbr.abs _section_cstart, $3  }
0xc3: {  	[dreg:$0x1] =	wrdreg $0xFFFFFFFF  }
0xc4: {  	_ =	task.clear_ibuf [dreg:s9], $0x2FFFF;
	_ =	strace $0x9FFFFFFF  }
0xc5: {  	(tm) =	ssettm $0x7FFFFFFF  }
tec
execute0_lowered:
.L_overlay_start_1:
0x0: {  	(tag) =	ssettag $0x1  }
0x1: {  	s0 =	rddreg [dreg:$0x0]  }
0x2: {  	s1 =	rddreg [dreg:$0x1]  }
0x3: {  	s2 =	srdreg.scid;
	s3 =	rddreg [dreg:$0x2]  }
0x4: {  	[dreg:$0x4] =	wrdreg s1;
	s8 =	sand.u32 $0x1, s2;
	s2 =	simm.s32 $0x0  }
0x5: {  	s21 =	simm.s32 $0x200;
	[smem:$0x7FF] =	sst s2  }
0x6: {  	s22 =	simm.s32 $0x400;
	_ =	strace $0x80000047;
	[dreg:$0x11] =	wrdreg s21  }
0x7: {  	s23 =	simm.s32 $0x19100;
	[dreg:$0x12] =	wrdreg s22  }
0x8: {  	s24 =	simm.s32 $0x19900;
	[dreg:$0x13] =	wrdreg s23  }
0x9: {  	s25 =	simm.s32 $0x1A100;
	[dreg:$0x14] =	wrdreg s24  }
0xa: {  	s4 =	stileid.u32;
	s26 =	simm.s32 $0x1A900;
	[dreg:$0x15] =	wrdreg s25  }
0xb: {  	s28 =	simm.s32 $0x1B100;
	s29 =	simm.s32 $0x1B900;
	[dreg:$0x16] =	wrdreg s26  }
0xc: {  	s4 =	sshll.u32 s4, $0xD;
	s5 =	sshll.u32 s8, $0xC;
	[dreg:$0x17] =	wrdreg s28  }
0xd: {  	s30 =	simm.s32 $0x1C100;
	s4 =	sor.u32 s5, s4;
	[dreg:$0x18] =	wrdreg s29  }
0xe: {  	[dreg:$0x19] =	wrdreg s30;
	s6 =	sadd.s32 s0, s4  }
0xf: {  	s0 =	sadd.s32 $0x20000, s6;
	[dreg:$0x1a] =	wrdreg s6  }
0x10: {  	s9 =	sadd.s32 $0x40000, s6;
	[dreg:$0x5] =	wrdreg s0  }
0x11: {  	s10 =	sadd.s32 $0x60000, s6;
	[dreg:$0x6] =	wrdreg s9  }
0x12: {  	s11 =	sadd.s32 $0x80000, s6;
	[dreg:$0x7] =	wrdreg s10  }
0x13: {  	s12 =	sadd.s32 $0xA0000, s6;
	[dreg:$0x8] =	wrdreg s11  }
0x14: {  	s31 =	simm.s32 $0x10900;
	s13 =	sadd.s32 $0xC0000, s6;
	[dreg:$0x9] =	wrdreg s12  }
0x15: {  	s1 =	ssub.s32 $0x2, s8;
	s14 =	sadd.s32 $0xE0000, s6;
	[dreg:$0xa] =	wrdreg s13  }
0x16: {  	s18 =	sshrl.u32 s1, $0x1;
	s15 =	sadd.s32 $0x100000, s6;
	[dreg:$0xb] =	wrdreg s14  }
0x17: {  	v0 =	vlaneseq.u32;
	s25 =	simm.s32 $0x4;
	s16 =	sadd.s32 $0x120000, s6;
	[dreg:$0xc] =	wrdreg s15  }
0x18: {  	v1 =	vimm.s32 $0x0;
	vm0 =	vmmov $0xffff;
	vm1 =	vmmov $0xf;
	s26 =	simm.s32 $0x2;
	s17 =	sadd.s32 $0x140000, s6;
	[dreg:$0xd] =	wrdreg s16  }
0x19: {  	v2 =	vor.u32 $0x10, v0;
	v3 =	vor.u32 $0x20, v0;
	v4 =	vor.u32 $0x30, v0;
	s24 =	simm.s32 $0x5;
	s19 =	sadd.s32 $0x160000, s6;
	[dreg:$0xe] =	wrdreg s17  }
0x1a: {  	v5 =	vor.u32 $0x40, v0;
	v6 =	vor.u32 $0x50, v0;
	v7 =	vor.u32 $0x60, v0;
	s1 =	ssub.s32 s1, s18;
	s20 =	sadd.s32 $0x180000, s6;
	[dreg:$0xf] =	wrdreg s19  }
0x1b: {  	v8 =	vand.u32 $0x7, v0;
	v9 =	vshrl.u32 v0, $0x3;
	v11 =	vshrl.u32 v0, $0x2;
	s4 =	sadd.s32 s3, s4;
	s1 =	smax.u32 s1, $0x1;
	[dreg:$0x10] =	wrdreg s20  }
0x1c: {  	v10 =	vand.u32 $0x3, v0;
	v9 =	vmul.u32 $0x8, v9;
	v11 =	vmul.u32 $0x8, v11;
	s12 =	sadd.s32 $0x100, s4;
	s14 =	sadd.s32 $0x200, s4;
	s10 =	simm.s32 $0x1  }
.LBB2_1:
0x1d: {  	[dreg:$0x1b] =	wrdreg s1  }
0x1e: {  	s18 =	rddreg [dreg:$0x1a];
	s3 =	simm.s32 $0x900  }
0x1f: {  	[tilespmem:s3], [sflag:$0x1] =	stream.linear.gather [hbm4b:s18+s2], $0x8000, $0x38;
	[tilespmem:$0x1C900] =	vst v63  }
0x20: {  	s0 =	rddreg [dreg:$0x5];
	s20 =	simm.s32 $0x8900  }
0x21: {  	[tilespmem:s20], [sflag:$0x2] =	stream.linear.gather [hbm4b:s0+s2], $0x8000, $0x38;
	[tilespmem:$0x1C900] =	vst v63  }
0x22: {  	s19 =	rddreg [dreg:$0x4];
	s21 =	simm.s32 $0x7;
	[tilespmem:$0x60] =	vst v1  }
0x23: {  	[tilespmem:s2], [sflag:$0x7] =	stream.linear.gather [hbm4b:s19+s2], $0x64, $0x38;
	[tilespmem:$0x1C900] =	vst v63  }
0x24: {  	_ =	swait.ge [sflag:s21], $0x64  }
0x25: {  	[sflag:s21] =	ssyncset.done $0x0  }
0x26: {  	[sflag:s21] =	ssyncadd.s32 $0xFFFFFF9C  }
0x27: {  	v12 =	vld.idx.msk [tilespmem:v0+s2+$0x0], $0xffff;
	_ =	sdelay $0x4  }
0x28: {  	v13 =	vshll.u32 v12, $0x4  }
0x29: {  	vm2 =	vlt.s32 v12, $0x60;
	v14 =	vand.u32 $0x7, v12;
	v13 =	vand.u32 $0xFFFFFF80, v13  }
0x2a: {  	vm3 =	vgt.s32 v12, $0x5F;
	v13 =	vor.u32 v14, v13  }
0x2b: {  	v12 =	vadd.s32 $0xFFFFFFA0, v12;
	_ =	sdelay $0x2  }
0x2c: {  	s22 =	simm.s32 $0x80  }
0x2d: {  	s23 =	simm.s32 $0x880;
	[tilespmem:v13+s22+$0x0] =	vst.idx.msk vm2, v0  }
0x2e: {  	[tilespmem:v12+s23+$0x0] =	vst.idx.msk vm3, v0  }
0x2f: {  	v12 =	vld.idx.msk [tilespmem:v2+s2+$0x0], $0xffff;
	_ =	sdelay $0x4  }
0x30: {  	v26 =	vshll.u32 v12, $0x4  }
0x31: {  	vm2 =	vlt.s32 v12, $0x60;
	v27 =	vand.u32 $0x7, v12;
	v13 =	vand.u32 $0xFFFFFF80, v26  }
0x32: {  	vm3 =	vgt.s32 v12, $0x5F;
	v13 =	vor.u32 v27, v13  }
0x33: {  	v12 =	vadd.s32 $0xFFFFFFA0, v12;
	_ =	sdelay $0x3  }
0x34: {  	[tilespmem:v13+s22+$0x0] =	vst.idx.msk vm2, v2  }
0x35: {  	[tilespmem:v12+s23+$0x0] =	vst.idx.msk vm3, v2  }
0x36: {  	v12 =	vld.idx.msk [tilespmem:v3+s2+$0x0], $0xffff;
	_ =	sdelay $0x4  }
0x37: {  	v28 =	vshll.u32 v12, $0x4  }
0x38: {  	vm2 =	vlt.s32 v12, $0x60;
	v29 =	vand.u32 $0x7, v12;
	v13 =	vand.u32 $0xFFFFFF80, v28  }
0x39: {  	vm3 =	vgt.s32 v12, $0x5F;
	v13 =	vor.u32 v29, v13  }
0x3a: {  	v12 =	vadd.s32 $0xFFFFFFA0, v12;
	_ =	sdelay $0x3  }
0x3b: {  	[tilespmem:v13+s22+$0x0] =	vst.idx.msk vm2, v3  }
0x3c: {  	[tilespmem:v12+s23+$0x0] =	vst.idx.msk vm3, v3  }
0x3d: {  	v12 =	vld.idx.msk [tilespmem:v4+s2+$0x0], $0xffff;
	_ =	sdelay $0x4  }
0x3e: {  	v30 =	vshll.u32 v12, $0x4  }
0x3f: {  	vm2 =	vlt.s32 v12, $0x60;
	v31 =	vand.u32 $0x7, v12;
	v13 =	vand.u32 $0xFFFFFF80, v30  }
0x40: {  	vm3 =	vgt.s32 v12, $0x5F;
	v13 =	vor.u32 v31, v13  }
0x41: {  	v12 =	vadd.s32 $0xFFFFFFA0, v12;
	_ =	sdelay $0x3  }
0x42: {  	[tilespmem:v13+s22+$0x0] =	vst.idx.msk vm2, v4  }
0x43: {  	[tilespmem:v12+s23+$0x0] =	vst.idx.msk vm3, v4  }
0x44: {  	v12 =	vld.idx.msk [tilespmem:v5+s2+$0x0], $0xffff;
	_ =	sdelay $0x4  }
0x45: {  	v32 =	vshll.u32 v12, $0x4  }
0x46: {  	vm2 =	vlt.s32 v12, $0x60;
	v33 =	vand.u32 $0x7, v12;
	v13 =	vand.u32 $0xFFFFFF80, v32  }
0x47: {  	vm3 =	vgt.s32 v12, $0x5F;
	v13 =	vor.u32 v33, v13  }
0x48: {  	v12 =	vadd.s32 $0xFFFFFFA0, v12;
	_ =	sdelay $0x3  }
0x49: {  	[tilespmem:v13+s22+$0x0] =	vst.idx.msk vm2, v5  }
0x4a: {  	[tilespmem:v12+s23+$0x0] =	vst.idx.msk vm3, v5  }
0x4b: {  	v12 =	vld.idx.msk [tilespmem:v6+s2+$0x0], $0xffff;
	_ =	sdelay $0x4  }
0x4c: {  	v34 =	vshll.u32 v12, $0x4  }
0x4d: {  	vm2 =	vlt.s32 v12, $0x60;
	v35 =	vand.u32 $0x7, v12;
	v13 =	vand.u32 $0xFFFFFF80, v34  }
0x4e: {  	vm3 =	vgt.s32 v12, $0x5F;
	v13 =	vor.u32 v35, v13  }
0x4f: {  	v12 =	vadd.s32 $0xFFFFFFA0, v12;
	_ =	sdelay $0x3  }
0x50: {  	[tilespmem:v13+s22+$0x0] =	vst.idx.msk vm2, v6  }
0x51: {  	[tilespmem:v12+s23+$0x0] =	vst.idx.msk vm3, v6  }
0x52: {  	v12 =	vld.idx.msk [tilespmem:v7+s2+$0x0], $0xffff;
	_ =	sdelay $0x4  }
0x53: {  	vm2 =	vlt.s32 v12, $0x60;
	v36 =	vshll.u32 v12, $0x4;
	v37 =	vand.u32 $0x7, v12  }
0x54: {  	vm3 =	vgt.s32 v12, $0x5F;
	vm2 =	vmand vm2, vm1;
	v13 =	vand.u32 $0xFFFFFF80, v36  }
0x55: {  	vm3 =	vmand vm3, vm1;
	v13 =	vor.u32 v37, v13  }
0x56: {  	v12 =	vadd.s32 $0xFFFFFFA0, v12;
	_ =	sdelay $0x3  }
0x57: {  	[tilespmem:v13+s22+$0x0] =	vst.idx.msk vm2, v7  }
0x58: {  	[tilespmem:v12+s23+$0x0] =	vst.idx.msk vm3, v7  }
0x59: {  	_ =	swait.ge [sflag:s10], $0x8000  }
0x5a: {  	[sflag:s10] =	ssyncset.done $0x0  }
0x5b: {  	[sflag:s10] =	ssyncadd.s32 $0xFFFF8000  }
0x5c: {  	v38 =	vld.msk [tilespmem:$0x80], $0xff;
	_ =	sdelay $0x4  }
0x5d: {  	v39 =	vshll.u32 v38, $0xA  }
0x5e: {  	v12 =	vand.u32 $0x7, v38;
	v13 =	vand.u32 $0xFFFFE000, v39  }
0x5f: {  	v12 =	vor.u32 v12, v13  }
0x60: {  	v12 =	vperm.xlane v12, v8;
	_ =	sdelay $0x1  }
0x61: {  	v12 =	vadd.s32 v9, v12;
	_ =	sdelay $0x3  }
0x62: {  	s6 =	simm.s32 $0x900  }
0x63: {  	[hbm4b:s4+s2] =	stream.indirect_vreg.scatter [tilespmem:s6], [sflag:$0x4], $0x80, v12, vm0, $0xb8;
	[tilespmem:$0x1C900] =	vst v63  }
0x64: {  	s28 =	simm.s32 $0x1100  }
0x65: {  	[hbm4b:s12+s2] =	stream.indirect_vreg.scatter [tilespmem:s28], [sflag:$0x4], $0x80, v12, vm0, $0xb8;
	[tilespmem:$0x1C900] =	vst v63  }
0x66: {  	s29 =	simm.s32 $0x1900  }
0x67: {  	[hbm4b:s14+s2] =	stream.indirect_vreg.scatter [tilespmem:s29], [sflag:$0x4], $0x80, v12, vm0, $0xb8;
	[tilespmem:$0x1C900] =	vst v63  }
0x68: {  	s13 =	sadd.s32 $0x300, s4;
	s1 =	simm.s32 $0x2100  }
0x69: {  	[hbm4b:s13+s2] =	stream.indirect_vreg.scatter [tilespmem:s1], [sflag:$0x4], $0x80, v12, vm0, $0xb8;
	[tilespmem:$0x1C900] =	vst v63  }
0x6a: {  	s3 =	simm.s32 $0x2900;
	s28 =	sadd.s32 $0x400, s4  }
0x6b: {  	[hbm4b:s28+s2] =	stream.indirect_vreg.scatter [tilespmem:s3], [sflag:$0x4], $0x80, v12, vm0, $0xb8;
	[tilespmem:$0x1C900] =	vst v63  }
0x6c: {  	s15 =	sadd.s32 $0x500, s4;
	s6 =	simm.s32 $0x3100  }
0x6d: {  	[hbm4b:s15+s2] =	stream.indirect_vreg.scatter [tilespmem:s6], [sflag:$0x4], $0x80, v12, vm0, $0xb8;
	[tilespmem:$0x1C900] =	vst v63  }
0x6e: {  	s7 =	simm.s32 $0x3900;
	s29 =	sadd.s32 $0x600, s4  }
0x6f: {  	[hbm4b:s29+s2] =	stream.indirect_vreg.scatter [tilespmem:s7], [sflag:$0x4], $0x80, v12, vm0, $0xb8;
	[tilespmem:$0x1C900] =	vst v63  }
0x70: {  	s16 =	sadd.s32 $0x700, s4;
	s8 =	simm.s32 $0x4100  }
0x71: {  	[hbm4b:s16+s2] =	stream.indirect_vreg.scatter [tilespmem:s8], [sflag:$0x4], $0x80, v12, vm0, $0xb8;
	[tilespmem:$0x1C900] =	vst v63  }
0x72: {  	s9 =	simm.s32 $0x4900;
	s1 =	sadd.s32 $0x800, s4  }
0x73: {  	[hbm4b:s1+s2] =	stream.indirect_vreg.scatter [tilespmem:s9], [sflag:$0x4], $0x80, v12, vm0, $0xb8;
	[tilespmem:$0x1C900] =	vst v63  }
0x74: {  	s17 =	sadd.s32 $0x900, s4;
	s11 =	simm.s32 $0x5100  }
0x75: {  	[hbm4b:s17+s2] =	stream.indirect_vreg.scatter [tilespmem:s11], [sflag:$0x4], $0x80, v12, vm0, $0xb8;
	[tilespmem:$0x1C900] =	vst v63  }
0x76: {  	s18 =	simm.s32 $0x5900;
	s0 =	sadd.s32 $0xA00, s4  }
0x77: {  	[hbm4b:s0+s2] =	stream.indirect_vreg.scatter [tilespmem:s18], [sflag:$0x4], $0x80, v12, vm0, $0xb8;
	[tilespmem:$0x1C900] =	vst v63  }
0x78: {  	s19 =	simm.s32 $0x6100;
	s18 =	sadd.s32 $0xB00, s4  }
0x79: {  	[hbm4b:s18+s2] =	stream.indirect_vreg.scatter [tilespmem:s19], [sflag:$0x4], $0x80, v12, vm0, $0xb8;
	[tilespmem:$0x1C900] =	vst v63  }
0x7a: {  	s20 =	simm.s32 $0x6900;
	s3 =	sadd.s32 $0xC00, s4  }
0x7b: {  	[hbm4b:s3+s2] =	stream.indirect_vreg.scatter [tilespmem:s20], [sflag:$0x4], $0x80, v12, vm0, $0xb8;
	[tilespmem:$0x1C900] =	vst v63  }
0x7c: {  	s21 =	simm.s32 $0x7100;
	s19 =	sadd.s32 $0xD00, s4  }
0x7d: {  	[hbm4b:s19+s2] =	stream.indirect_vreg.scatter [tilespmem:s21], [sflag:$0x4], $0x80, v12, vm0, $0xb8;
	[tilespmem:$0x1C900] =	vst v63  }
0x7e: {  	s22 =	simm.s32 $0x7900;
	s8 =	sadd.s32 $0xE00, s4  }
0x7f: {  	[hbm4b:s8+s2] =	stream.indirect_vreg.scatter [tilespmem:s22], [sflag:$0x4], $0x80, v12, vm0, $0xb8;
	[tilespmem:$0x1C900] =	vst v63  }
0x80: {  	s23 =	simm.s32 $0x8100;
	s20 =	sadd.s32 $0xF00, s4  }
0x81: {  	[hbm4b:s20+s2] =	stream.indirect_vreg.scatter [tilespmem:s23], [sflag:$0x4], $0x80, v12, vm0, $0xb8;
	[tilespmem:$0x1C900] =	vst v63  }
0x82: {  	s21 =	rddreg [dreg:$0x6]  }
0x83: {  	[tilespmem:s31], [sflag:$0x3] =	stream.linear.gather [hbm4b:s21+s2], $0x8000, $0x38;
	[tilespmem:$0x1C900] =	vst v63  }
0x84: {  	_ =	swait.ge [sflag:s26], $0x8000  }
0x85: {  	[sflag:s26] =	ssyncset.done $0x0  }
0x86: {  	[sflag:s26] =	ssyncadd.s32 $0xFFFF8000  }
0x87: {  	v40 =	vld.msk [tilespmem:$0x100], $0xff;
	_ =	sdelay $0x4  }
0x88: {  	v41 =	vshll.u32 v40, $0xA  }
0x89: {  	v12 =	vand.u32 $0x7, v40;
	v13 =	vand.u32 $0xFFFFE000, v41  }
0x8a: {  	v12 =	vor.u32 v12, v13  }
0x8b: {  	v12 =	vperm.xlane v12, v8;
	_ =	sdelay $0x1  }
0x8c: {  	v12 =	vadd.s32 v9, v12;
	_ =	sdelay $0x3  }
0x8d: {  	s5 =	simm.s32 $0x8900  }
0x8e: {  	[hbm4b:s4+s2] =	stream.indirect_vreg.scatter [tilespmem:s5], [sflag:$0x5], $0x80, v12, vm0, $0xb8;
	[tilespmem:$0x1C900] =	vst v63  }
0x8f: {  	s5 =	simm.s32 $0x9100  }
0x90: {  	[hbm4b:s12+s2] =	stream.indirect_vreg.scatter [tilespmem:s5], [sflag:$0x5], $0x80, v12, vm0, $0xb8;
	[tilespmem:$0x1C900] =	vst v63  }
0x91: {  	s7 =	simm.s32 $0x9900  }
0x92: {  	[hbm4b:s14+s2] =	stream.indirect_vreg.scatter [tilespmem:s7], [sflag:$0x5], $0x80, v12, vm0, $0xb8;
	[tilespmem:$0x1C900] =	vst v63  }
0x93: {  	s21 =	simm.s32 $0xA100  }
0x94: {  	[hbm4b:s13+s2] =	stream.indirect_vreg.scatter [tilespmem:s21], [sflag:$0x5], $0x80, v12, vm0, $0xb8;
	[tilespmem:$0x1C900] =	vst v63  }
0x95: {  	s5 =	simm.s32 $0xA900  }
0x96: {  	[hbm4b:s28+s2] =	stream.indirect_vreg.scatter [tilespmem:s5], [sflag:$0x5], $0x80, v12, vm0, $0xb8;
	[tilespmem:$0x1C900] =	vst v63  }
0x97: {  	s7 =	simm.s32 $0xB100  }
0x98: {  	[hbm4b:s15+s2] =	stream.indirect_vreg.scatter [tilespmem:s7], [sflag:$0x5], $0x80, v12, vm0, $0xb8;
	[tilespmem:$0x1C900] =	vst v63  }
0x99: {  	s21 =	simm.s32 $0xB900  }
0x9a: {  	[hbm4b:s29+s2] =	stream.indirect_vreg.scatter [tilespmem:s21], [sflag:$0x5], $0x80, v12, vm0, $0xb8;
	[tilespmem:$0x1C900] =	vst v63  }
0x9b: {  	s5 =	simm.s32 $0xC100  }
0x9c: {  	[hbm4b:s16+s2] =	stream.indirect_vreg.scatter [tilespmem:s5], [sflag:$0x5], $0x80, v12, vm0, $0xb8;
	[tilespmem:$0x1C900] =	vst v63  }
0x9d: {  	s7 =	simm.s32 $0xC900  }
0x9e: {  	[hbm4b:s1+s2] =	stream.indirect_vreg.scatter [tilespmem:s7], [sflag:$0x5], $0x80, v12, vm0, $0xb8;
	[tilespmem:$0x1C900] =	vst v63  }
0x9f: {  	s21 =	simm.s32 $0xD100  }
0xa0: {  	[hbm4b:s17+s2] =	stream.indirect_vreg.scatter [tilespmem:s21], [sflag:$0x5], $0x80, v12, vm0, $0xb8;
	[tilespmem:$0x1C900] =	vst v63  }
0xa1: {  	s5 =	simm.s32 $0xD900  }
0xa2: {  	[hbm4b:s0+s2] =	stream.indirect_vreg.scatter [tilespmem:s5], [sflag:$0x5], $0x80, v12, vm0, $0xb8;
	[tilespmem:$0x1C900] =	vst v63  }
0xa3: {  	s7 =	simm.s32 $0xE100  }
0xa4: {  	[hbm4b:s18+s2] =	stream.indirect_vreg.scatter [tilespmem:s7], [sflag:$0x5], $0x80, v12, vm0, $0xb8;
	[tilespmem:$0x1C900] =	vst v63  }
0xa5: {  	s21 =	simm.s32 $0xE900  }
0xa6: {  	[hbm4b:s3+s2] =	stream.indirect_vreg.scatter [tilespmem:s21], [sflag:$0x5], $0x80, v12, vm0, $0xb8;
	[tilespmem:$0x1C900] =	vst v63  }
0xa7: {  	s5 =	simm.s32 $0xF100  }
0xa8: {  	[hbm4b:s19+s2] =	stream.indirect_vreg.scatter [tilespmem:s5], [sflag:$0x5], $0x80, v12, vm0, $0xb8;
	[tilespmem:$0x1C900] =	vst v63  }
0xa9: {  	s7 =	simm.s32 $0xF900  }
0xaa: {  	[hbm4b:s8+s2] =	stream.indirect_vreg.scatter [tilespmem:s7], [sflag:$0x5], $0x80, v12, vm0, $0xb8;
	[tilespmem:$0x1C900] =	vst v63  }
0xab: {  	s21 =	simm.s32 $0x10100  }
0xac: {  	[hbm4b:s20+s2] =	stream.indirect_vreg.scatter [tilespmem:s21], [sflag:$0x5], $0x80, v12, vm0, $0xb8;
	[tilespmem:$0x1C900] =	vst v63  }
0xad: {  	_ =	swait.ge [sflag:s25], $0x8000  }
0xae: {  	[sflag:s25] =	ssyncset.done $0x0  }
0xaf: {  	s7 =	simm.s32 $0x900;
	s5 =	rddreg [dreg:$0x7];
	[sflag:s25] =	ssyncadd.s32 $0xFFFF8000  }
0xb0: {  	[tilespmem:s7], [sflag:$0x1] =	stream.linear.gather [hbm4b:s5+s2], $0x8000, $0x38;
	[tilespmem:$0x1C900] =	vst v63  }
0xb1: {  	s5 =	simm.s32 $0x3  }
0xb2: {  	_ =	swait.ge [sflag:s5], $0x8000  }
0xb3: {  	[sflag:s5] =	ssyncset.done $0x0  }
0xb4: {  	[sflag:s5] =	ssyncadd.s32 $0xFFFF8000  }
0xb5: {  	v42 =	vld.msk [tilespmem:$0x180], $0xff;
	_ =	sdelay $0x4  }
0xb6: {  	v43 =	vshll.u32 v42, $0xA  }
0xb7: {  	v12 =	vand.u32 $0x7, v42;
	v13 =	vand.u32 $0xFFFFE000, v43  }
0xb8: {  	v12 =	vor.u32 v12, v13  }
0xb9: {  	v12 =	vperm.xlane v12, v8;
	_ =	sdelay $0x1  }
0xba: {  	v12 =	vadd.s32 v9, v12;
	_ =	sdelay $0x4  }
0xbb: {  	[hbm4b:s4+s2] =	stream.indirect_vreg.scatter [tilespmem:s31], [sflag:$0x6], $0x80, v12, vm0, $0xb8;
	[tilespmem:$0x1C900] =	vst v63  }
0xbc: {  	s6 =	simm.s32 $0x11100  }
0xbd: {  	[hbm4b:s12+s2] =	stream.indirect_vreg.scatter [tilespmem:s6], [sflag:$0x6], $0x80, v12, vm0, $0xb8;
	[tilespmem:$0x1C900] =	vst v63  }
0xbe: {  	s6 =	simm.s32 $0x11900  }
0xbf: {  	[hbm4b:s14+s2] =	stream.indirect_vreg.scatter [tilespmem:s6], [sflag:$0x6], $0x80, v12, vm0, $0xb8;
	[tilespmem:$0x1C900] =	vst v63  }
0xc0: {  	s6 =	simm.s32 $0x12100  }
0xc1: {  	[hbm4b:s13+s2] =	stream.indirect_vreg.scatter [tilespmem:s6], [sflag:$0x6], $0x80, v12, vm0, $0xb8;
	[tilespmem:$0x1C900] =	vst v63  }
0xc2: {  	s6 =	simm.s32 $0x12900  }
0xc3: {  	[hbm4b:s28+s2] =	stream.indirect_vreg.scatter [tilespmem:s6], [sflag:$0x6], $0x80, v12, vm0, $0xb8;
	[tilespmem:$0x1C900] =	vst v63  }
0xc4: {  	s6 =	simm.s32 $0x13100  }
0xc5: {  	[hbm4b:s15+s2] =	stream.indirect_vreg.scatter [tilespmem:s6], [sflag:$0x6], $0x80, v12, vm0, $0xb8;
	[tilespmem:$0x1C900] =	vst v63  }
0xc6: {  	s6 =	simm.s32 $0x13900  }
0xc7: {  	[hbm4b:s29+s2] =	stream.indirect_vreg.scatter [tilespmem:s6], [sflag:$0x6], $0x80, v12, vm0, $0xb8;
	[tilespmem:$0x1C900] =	vst v63  }
0xc8: {  	s6 =	simm.s32 $0x14100  }
0xc9: {  	[hbm4b:s16+s2] =	stream.indirect_vreg.scatter [tilespmem:s6], [sflag:$0x6], $0x80, v12, vm0, $0xb8;
	[tilespmem:$0x1C900] =	vst v63  }
0xca: {  	s6 =	simm.s32 $0x14900  }
0xcb: {  	[hbm4b:s1+s2] =	stream.indirect_vreg.scatter [tilespmem:s6], [sflag:$0x6], $0x80, v12, vm0, $0xb8;
	[tilespmem:$0x1C900] =	vst v63  }
0xcc: {  	s6 =	simm.s32 $0x15100  }
0xcd: {  	[hbm4b:s17+s2] =	stream.indirect_vreg.scatter [tilespmem:s6], [sflag:$0x6], $0x80, v12, vm0, $0xb8;
	[tilespmem:$0x1C900] =	vst v63  }
0xce: {  	s6 =	simm.s32 $0x15900  }
0xcf: {  	[hbm4b:s0+s2] =	stream.indirect_vreg.scatter [tilespmem:s6], [sflag:$0x6], $0x80, v12, vm0, $0xb8;
	[tilespmem:$0x1C900] =	vst v63  }
0xd0: {  	s6 =	simm.s32 $0x16100  }
0xd1: {  	[hbm4b:s18+s2] =	stream.indirect_vreg.scatter [tilespmem:s6], [sflag:$0x6], $0x80, v12, vm0, $0xb8;
	[tilespmem:$0x1C900] =	vst v63  }
0xd2: {  	s6 =	simm.s32 $0x16900  }
0xd3: {  	[hbm4b:s3+s2] =	stream.indirect_vreg.scatter [tilespmem:s6], [sflag:$0x6], $0x80, v12, vm0, $0xb8;
	[tilespmem:$0x1C900] =	vst v63  }
0xd4: {  	s6 =	simm.s32 $0x17100  }
0xd5: {  	[hbm4b:s19+s2] =	stream.indirect_vreg.scatter [tilespmem:s6], [sflag:$0x6], $0x80, v12, vm0, $0xb8;
	[tilespmem:$0x1C900] =	vst v63  }
0xd6: {  	s6 =	simm.s32 $0x17900  }
0xd7: {  	[hbm4b:s8+s2] =	stream.indirect_vreg.scatter [tilespmem:s6], [sflag:$0x6], $0x80, v12, vm0, $0xb8;
	[tilespmem:$0x1C900] =	vst v63  }
0xd8: {  	s6 =	simm.s32 $0x18100  }
0xd9: {  	[hbm4b:s20+s2] =	stream.indirect_vreg.scatter [tilespmem:s6], [sflag:$0x6], $0x80, v12, vm0, $0xb8;
	[tilespmem:$0x1C900] =	vst v63  }
0xda: {  	_ =	swait.ge [sflag:s24], $0x8000  }
0xdb: {  	[sflag:s24] =	ssyncset.done $0x0  }
0xdc: {  	s6 =	simm.s32 $0x8900;
	s21 =	rddreg [dreg:$0x8];
	[sflag:s24] =	ssyncadd.s32 $0xFFFF8000  }
0xdd: {  	[tilespmem:s6], [sflag:$0x2] =	stream.linear.gather [hbm4b:s21+s2], $0x8000, $0x38;
	[tilespmem:$0x1C900] =	vst v63  }
0xde: {  	_ =	swait.ge [sflag:s10], $0x8000  }
0xdf: {  	[sflag:s10] =	ssyncset.done $0x0  }
0xe0: {  	[sflag:s10] =	ssyncadd.s32 $0xFFFF8000  }
0xe1: {  	v44 =	vld.msk [tilespmem:$0x200], $0xff;
	_ =	sdelay $0x4  }
0xe2: {  	v45 =	vshll.u32 v44, $0xA  }
0xe3: {  	v12 =	vand.u32 $0x7, v44;
	v13 =	vand.u32 $0xFFFFE000, v45  }
0xe4: {  	v12 =	vor.u32 v12, v13  }
0xe5: {  	v12 =	vperm.xlane v12, v8;
	_ =	sdelay $0x1  }
0xe6: {  	v12 =	vadd.s32 v9, v12;
	_ =	sdelay $0x4  }
0xe7: {  	[hbm4b:s4+s2] =	stream.indirect_vreg.scatter [tilespmem:s7], [sflag:$0x4], $0x80, v12, vm0, $0xb8;
	[tilespmem:$0x1C900] =	vst v63  }
0xe8: {  	s30 =	simm.s32 $0x1100  }
0xe9: {  	[hbm4b:s12+s2] =	stream.indirect_vreg.scatter [tilespmem:s30], [sflag:$0x4], $0x80, v12, vm0, $0xb8;
	[tilespmem:$0x1C900] =	vst v63  }
0xea: {  	s30 =	simm.s32 $0x1900  }
0xeb: {  	[hbm4b:s14+s2] =	stream.indirect_vreg.scatter [tilespmem:s30], [sflag:$0x4], $0x80, v12, vm0, $0xb8;
	[tilespmem:$0x1C900] =	vst v63  }
0xec: {  	s21 =	simm.s32 $0x2100  }
0xed: {  	[hbm4b:s13+s2] =	stream.indirect_vreg.scatter [tilespmem:s21], [sflag:$0x4], $0x80, v12, vm0, $0xb8;
	[tilespmem:$0x1C900] =	vst v63  }
0xee: {  	s30 =	simm.s32 $0x2900  }
0xef: {  	[hbm4b:s28+s2] =	stream.indirect_vreg.scatter [tilespmem:s30], [sflag:$0x4], $0x80, v12, vm0, $0xb8;
	[tilespmem:$0x1C900] =	vst v63  }
0xf0: {  	s21 =	simm.s32 $0x3100  }
0xf1: {  	[hbm4b:s15+s2] =	stream.indirect_vreg.scatter [tilespmem:s21], [sflag:$0x4], $0x80, v12, vm0, $0xb8;
	[tilespmem:$0x1C900] =	vst v63  }
0xf2: {  	s30 =	simm.s32 $0x3900  }
0xf3: {  	[hbm4b:s29+s2] =	stream.indirect_vreg.scatter [tilespmem:s30], [sflag:$0x4], $0x80, v12, vm0, $0xb8;
	[tilespmem:$0x1C900] =	vst v63  }
0xf4: {  	s21 =	simm.s32 $0x4100  }
0xf5: {  	[hbm4b:s16+s2] =	stream.indirect_vreg.scatter [tilespmem:s21], [sflag:$0x4], $0x80, v12, vm0, $0xb8;
	[tilespmem:$0x1C900] =	vst v63  }
0xf6: {  	s30 =	simm.s32 $0x4900  }
0xf7: {  	[hbm4b:s1+s2] =	stream.indirect_vreg.scatter [tilespmem:s30], [sflag:$0x4], $0x80, v12, vm0, $0xb8;
	[tilespmem:$0x1C900] =	vst v63  }
0xf8: {  	s21 =	simm.s32 $0x5100  }
0xf9: {  	[hbm4b:s17+s2] =	stream.indirect_vreg.scatter [tilespmem:s21], [sflag:$0x4], $0x80, v12, vm0, $0xb8;
	[tilespmem:$0x1C900] =	vst v63  }
0xfa: {  	s30 =	simm.s32 $0x5900  }
0xfb: {  	[hbm4b:s0+s2] =	stream.indirect_vreg.scatter [tilespmem:s30], [sflag:$0x4], $0x80, v12, vm0, $0xb8;
	[tilespmem:$0x1C900] =	vst v63  }
0xfc: {  	s7 =	simm.s32 $0x6100  }
0xfd: {  	[hbm4b:s18+s2] =	stream.indirect_vreg.scatter [tilespmem:s7], [sflag:$0x4], $0x80, v12, vm0, $0xb8;
	[tilespmem:$0x1C900] =	vst v63  }
0xfe: {  	s9 =	simm.s32 $0x6900  }
0xff: {  	[hbm4b:s3+s2] =	stream.indirect_vreg.scatter [tilespmem:s9], [sflag:$0x4], $0x80, v12, vm0, $0xb8;
	[tilespmem:$0x1C900] =	vst v63  }
0x100: {  	s11 =	simm.s32 $0x7100  }
0x101: {  	[hbm4b:s19+s2] =	stream.indirect_vreg.scatter [tilespmem:s11], [sflag:$0x4], $0x80, v12, vm0, $0xb8;
	[tilespmem:$0x1C900] =	vst v63  }
0x102: {  	s22 =	simm.s32 $0x7900  }
0x103: {  	[hbm4b:s8+s2] =	stream.indirect_vreg.scatter [tilespmem:s22], [sflag:$0x4], $0x80, v12, vm0, $0xb8;
	[tilespmem:$0x1C900] =	vst v63  }
0x104: {  	s23 =	simm.s32 $0x8100;
	s11 =	simm.s32 $0x6  }
0x105: {  	[hbm4b:s20+s2] =	stream.indirect_vreg.scatter [tilespmem:s23], [sflag:$0x4], $0x80, v12, vm0, $0xb8;
	[tilespmem:$0x1C900] =	vst v63  }
0x106: {  	_ =	swait.ge [sflag:s11], $0x8000  }
0x107: {  	[sflag:s11] =	ssyncset.done $0x0  }
0x108: {  	s9 =	rddreg [dreg:$0x9];
	[sflag:s11] =	ssyncadd.s32 $0xFFFF8000  }
0x109: {  	[tilespmem:s31], [sflag:$0x3] =	stream.linear.gather [hbm4b:s9+s2], $0x8000, $0x38;
	[tilespmem:$0x1C900] =	vst v63  }
0x10a: {  	_ =	swait.ge [sflag:s26], $0x8000  }
0x10b: {  	[sflag:s26] =	ssyncset.done $0x0  }
0x10c: {  	[sflag:s26] =	ssyncadd.s32 $0xFFFF8000  }
0x10d: {  	v46 =	vld.msk [tilespmem:$0x280], $0xff;
	_ =	sdelay $0x4  }
0x10e: {  	v47 =	vshll.u32 v46, $0xA  }
0x10f: {  	v12 =	vand.u32 $0x7, v46;
	v13 =	vand.u32 $0xFFFFE000, v47  }
0x110: {  	v12 =	vor.u32 v12, v13  }
0x111: {  	v12 =	vperm.xlane v12, v8;
	_ =	sdelay $0x1  }
0x112: {  	v12 =	vadd.s32 v9, v12;
	_ =	sdelay $0x4  }
0x113: {  	[hbm4b:s4+s2] =	stream.indirect_vreg.scatter [tilespmem:s6], [sflag:$0x5], $0x80, v12, vm0, $0xb8;
	[tilespmem:$0x1C900] =	vst v63  }
0x114: {  	s30 =	simm.s32 $0x9100  }
0x115: {  	[hbm4b:s12+s2] =	stream.indirect_vreg.scatter [tilespmem:s30], [sflag:$0x5], $0x80, v12, vm0, $0xb8;
	[tilespmem:$0x1C900] =	vst v63  }
0x116: {  	s21 =	simm.s32 $0x9900  }
0x117: {  	[hbm4b:s14+s2] =	stream.indirect_vreg.scatter [tilespmem:s21], [sflag:$0x5], $0x80, v12, vm0, $0xb8;
	[tilespmem:$0x1C900] =	vst v63  }
0x118: {  	s22 =	simm.s32 $0xA100  }
0x119: {  	[hbm4b:s13+s2] =	stream.indirect_vreg.scatter [tilespmem:s22], [sflag:$0x5], $0x80, v12, vm0, $0xb8;
	[tilespmem:$0x1C900] =	vst v63  }
0x11a: {  	s23 =	simm.s32 $0xA900  }
0x11b: {  	[hbm4b:s28+s2] =	stream.indirect_vreg.scatter [tilespmem:s23], [sflag:$0x5], $0x80, v12, vm0, $0xb8;
	[tilespmem:$0x1C900] =	vst v63  }
0x11c: {  	s22 =	simm.s32 $0xB100  }
0x11d: {  	[hbm4b:s15+s2] =	stream.indirect_vreg.scatter [tilespmem:s22], [sflag:$0x5], $0x80, v12, vm0, $0xb8;
	[tilespmem:$0x1C900] =	vst v63  }
0x11e: {  	s23 =	simm.s32 $0xB900  }
0x11f: {  	[hbm4b:s29+s2] =	stream.indirect_vreg.scatter [tilespmem:s23], [sflag:$0x5], $0x80, v12, vm0, $0xb8;
	[tilespmem:$0x1C900] =	vst v63  }
0x120: {  	s9 =	simm.s32 $0xC100  }
0x121: {  	[hbm4b:s16+s2] =	stream.indirect_vreg.scatter [tilespmem:s9], [sflag:$0x5], $0x80, v12, vm0, $0xb8;
	[tilespmem:$0x1C900] =	vst v63  }
0x122: {  	s6 =	simm.s32 $0xC900  }
0x123: {  	[hbm4b:s1+s2] =	stream.indirect_vreg.scatter [tilespmem:s6], [sflag:$0x5], $0x80, v12, vm0, $0xb8;
	[tilespmem:$0x1C900] =	vst v63  }
0x124: {  	s9 =	simm.s32 $0xD100  }
0x125: {  	[hbm4b:s17+s2] =	stream.indirect_vreg.scatter [tilespmem:s9], [sflag:$0x5], $0x80, v12, vm0, $0xb8;
	[tilespmem:$0x1C900] =	vst v63  }
0x126: {  	s6 =	simm.s32 $0xD900  }
0x127: {  	[hbm4b:s0+s2] =	stream.indirect_vreg.scatter [tilespmem:s6], [sflag:$0x5], $0x80, v12, vm0, $0xb8;
	[tilespmem:$0x1C900] =	vst v63  }
0x128: {  	s9 =	simm.s32 $0xE100  }
0x129: {  	[hbm4b:s18+s2] =	stream.indirect_vreg.scatter [tilespmem:s9], [sflag:$0x5], $0x80, v12, vm0, $0xb8;
	[tilespmem:$0x1C900] =	vst v63  }
0x12a: {  	s6 =	simm.s32 $0xE900  }
0x12b: {  	[hbm4b:s3+s2] =	stream.indirect_vreg.scatter [tilespmem:s6], [sflag:$0x5], $0x80, v12, vm0, $0xb8;
	[tilespmem:$0x1C900] =	vst v63  }
0x12c: {  	s9 =	simm.s32 $0xF100  }
0x12d: {  	[hbm4b:s19+s2] =	stream.indirect_vreg.scatter [tilespmem:s9], [sflag:$0x5], $0x80, v12, vm0, $0xb8;
	[tilespmem:$0x1C900] =	vst v63  }
0x12e: {  	s6 =	simm.s32 $0xF900  }
0x12f: {  	[hbm4b:s8+s2] =	stream.indirect_vreg.scatter [tilespmem:s6], [sflag:$0x5], $0x80, v12, vm0, $0xb8;
	[tilespmem:$0x1C900] =	vst v63  }
0x130: {  	s9 =	simm.s32 $0x10100  }
0x131: {  	[hbm4b:s20+s2] =	stream.indirect_vreg.scatter [tilespmem:s9], [sflag:$0x5], $0x80, v12, vm0, $0xb8;
	[tilespmem:$0x1C900] =	vst v63  }
0x132: {  	_ =	swait.ge [sflag:s25], $0x8000  }
0x133: {  	[sflag:s25] =	ssyncset.done $0x0  }
0x134: {  	s9 =	simm.s32 $0x900;
	s6 =	rddreg [dreg:$0xa];
	[sflag:s25] =	ssyncadd.s32 $0xFFFF8000  }
0x135: {  	[tilespmem:s9], [sflag:$0x1] =	stream.linear.gather [hbm4b:s6+s2], $0x8000, $0x38;
	[tilespmem:$0x1C900] =	vst v63  }
0x136: {  	_ =	swait.ge [sflag:s5], $0x8000  }
0x137: {  	[sflag:s5] =	ssyncset.done $0x0  }
0x138: {  	[sflag:s5] =	ssyncadd.s32 $0xFFFF8000  }
0x139: {  	v48 =	vld.msk [tilespmem:$0x300], $0xff;
	_ =	sdelay $0x4  }
0x13a: {  	v49 =	vshll.u32 v48, $0xA  }
0x13b: {  	v12 =	vand.u32 $0x7, v48;
	v13 =	vand.u32 $0xFFFFE000, v49  }
0x13c: {  	v12 =	vor.u32 v12, v13  }
0x13d: {  	v12 =	vperm.xlane v12, v8;
	_ =	sdelay $0x1  }
0x13e: {  	v12 =	vadd.s32 v9, v12;
	_ =	sdelay $0x4  }
0x13f: {  	[hbm4b:s4+s2] =	stream.indirect_vreg.scatter [tilespmem:s31], [sflag:$0x6], $0x80, v12, vm0, $0xb8;
	[tilespmem:$0x1C900] =	vst v63  }
0x140: {  	s21 =	simm.s32 $0x11100  }
0x141: {  	[hbm4b:s12+s2] =	stream.indirect_vreg.scatter [tilespmem:s21], [sflag:$0x6], $0x80, v12, vm0, $0xb8;
	[tilespmem:$0x1C900] =	vst v63  }
0x142: {  	s21 =	simm.s32 $0x11900  }
0x143: {  	[hbm4b:s14+s2] =	stream.indirect_vreg.scatter [tilespmem:s21], [sflag:$0x6], $0x80, v12, vm0, $0xb8;
	[tilespmem:$0x1C900] =	vst v63  }
0x144: {  	s21 =	simm.s32 $0x12100  }
0x145: {  	[hbm4b:s13+s2] =	stream.indirect_vreg.scatter [tilespmem:s21], [sflag:$0x6], $0x80, v12, vm0, $0xb8;
	[tilespmem:$0x1C900] =	vst v63  }
0x146: {  	s21 =	simm.s32 $0x12900  }
0x147: {  	[hbm4b:s28+s2] =	stream.indirect_vreg.scatter [tilespmem:s21], [sflag:$0x6], $0x80, v12, vm0, $0xb8;
	[tilespmem:$0x1C900] =	vst v63  }
0x148: {  	s21 =	simm.s32 $0x13100  }
0x149: {  	[hbm4b:s15+s2] =	stream.indirect_vreg.scatter [tilespmem:s21], [sflag:$0x6], $0x80, v12, vm0, $0xb8;
	[tilespmem:$0x1C900] =	vst v63  }
0x14a: {  	s21 =	simm.s32 $0x13900  }
0x14b: {  	[hbm4b:s29+s2] =	stream.indirect_vreg.scatter [tilespmem:s21], [sflag:$0x6], $0x80, v12, vm0, $0xb8;
	[tilespmem:$0x1C900] =	vst v63  }
0x14c: {  	s21 =	simm.s32 $0x14100  }
0x14d: {  	[hbm4b:s16+s2] =	stream.indirect_vreg.scatter [tilespmem:s21], [sflag:$0x6], $0x80, v12, vm0, $0xb8;
	[tilespmem:$0x1C900] =	vst v63  }
0x14e: {  	s21 =	simm.s32 $0x14900  }
0x14f: {  	[hbm4b:s1+s2] =	stream.indirect_vreg.scatter [tilespmem:s21], [sflag:$0x6], $0x80, v12, vm0, $0xb8;
	[tilespmem:$0x1C900] =	vst v63  }
0x150: {  	s21 =	simm.s32 $0x15100  }
0x151: {  	[hbm4b:s17+s2] =	stream.indirect_vreg.scatter [tilespmem:s21], [sflag:$0x6], $0x80, v12, vm0, $0xb8;
	[tilespmem:$0x1C900] =	vst v63  }
0x152: {  	s21 =	simm.s32 $0x15900  }
0x153: {  	[hbm4b:s0+s2] =	stream.indirect_vreg.scatter [tilespmem:s21], [sflag:$0x6], $0x80, v12, vm0, $0xb8;
	[tilespmem:$0x1C900] =	vst v63  }
0x154: {  	s21 =	simm.s32 $0x16100  }
0x155: {  	[hbm4b:s18+s2] =	stream.indirect_vreg.scatter [tilespmem:s21], [sflag:$0x6], $0x80, v12, vm0, $0xb8;
	[tilespmem:$0x1C900] =	vst v63  }
0x156: {  	s21 =	simm.s32 $0x16900  }
0x157: {  	[hbm4b:s3+s2] =	stream.indirect_vreg.scatter [tilespmem:s21], [sflag:$0x6], $0x80, v12, vm0, $0xb8;
	[tilespmem:$0x1C900] =	vst v63  }
0x158: {  	s21 =	simm.s32 $0x17100  }
0x159: {  	[hbm4b:s19+s2] =	stream.indirect_vreg.scatter [tilespmem:s21], [sflag:$0x6], $0x80, v12, vm0, $0xb8;
	[tilespmem:$0x1C900] =	vst v63  }
0x15a: {  	s21 =	simm.s32 $0x17900  }
0x15b: {  	[hbm4b:s8+s2] =	stream.indirect_vreg.scatter [tilespmem:s21], [sflag:$0x6], $0x80, v12, vm0, $0xb8;
	[tilespmem:$0x1C900] =	vst v63  }
0x15c: {  	s21 =	simm.s32 $0x18100  }
0x15d: {  	[hbm4b:s20+s2] =	stream.indirect_vreg.scatter [tilespmem:s21], [sflag:$0x6], $0x80, v12, vm0, $0xb8;
	[tilespmem:$0x1C900] =	vst v63  }
0x15e: {  	_ =	swait.ge [sflag:s24], $0x8000  }
0x15f: {  	[sflag:s24] =	ssyncset.done $0x0  }
0x160: {  	s6 =	simm.s32 $0x8900;
	s21 =	rddreg [dreg:$0xb];
	[sflag:s24] =	ssyncadd.s32 $0xFFFF8000  }
0x161: {  	[tilespmem:s6], [sflag:$0x2] =	stream.linear.gather [hbm4b:s21+s2], $0x8000, $0x38;
	[tilespmem:$0x1C900] =	vst v63  }
0x162: {  	_ =	swait.ge [sflag:s10], $0x8000  }
0x163: {  	[sflag:s10] =	ssyncset.done $0x0  }
0x164: {  	[sflag:s10] =	ssyncadd.s32 $0xFFFF8000  }
0x165: {  	v50 =	vld.msk [tilespmem:$0x380], $0xff;
	_ =	sdelay $0x4  }
0x166: {  	v51 =	vshll.u32 v50, $0xA  }
0x167: {  	v12 =	vand.u32 $0x7, v50;
	v13 =	vand.u32 $0xFFFFE000, v51  }
0x168: {  	v12 =	vor.u32 v12, v13  }
0x169: {  	v12 =	vperm.xlane v12, v8;
	_ =	sdelay $0x1  }
0x16a: {  	v12 =	vadd.s32 v9, v12;
	_ =	sdelay $0x4  }
0x16b: {  	[hbm4b:s4+s2] =	stream.indirect_vreg.scatter [tilespmem:s9], [sflag:$0x4], $0x80, v12, vm0, $0xb8;
	[tilespmem:$0x1C900] =	vst v63  }
0x16c: {  	s21 =	simm.s32 $0x1100  }
0x16d: {  	[hbm4b:s12+s2] =	stream.indirect_vreg.scatter [tilespmem:s21], [sflag:$0x4], $0x80, v12, vm0, $0xb8;
	[tilespmem:$0x1C900] =	vst v63  }
0x16e: {  	s21 =	simm.s32 $0x1900  }
0x16f: {  	[hbm4b:s14+s2] =	stream.indirect_vreg.scatter [tilespmem:s21], [sflag:$0x4], $0x80, v12, vm0, $0xb8;
	[tilespmem:$0x1C900] =	vst v63  }
0x170: {  	s21 =	simm.s32 $0x2100  }
0x171: {  	[hbm4b:s13+s2] =	stream.indirect_vreg.scatter [tilespmem:s21], [sflag:$0x4], $0x80, v12, vm0, $0xb8;
	[tilespmem:$0x1C900] =	vst v63  }
0x172: {  	s21 =	simm.s32 $0x2900  }
0x173: {  	[hbm4b:s28+s2] =	stream.indirect_vreg.scatter [tilespmem:s21], [sflag:$0x4], $0x80, v12, vm0, $0xb8;
	[tilespmem:$0x1C900] =	vst v63  }
0x174: {  	s21 =	simm.s32 $0x3100  }
0x175: {  	[hbm4b:s15+s2] =	stream.indirect_vreg.scatter [tilespmem:s21], [sflag:$0x4], $0x80, v12, vm0, $0xb8;
	[tilespmem:$0x1C900] =	vst v63  }
0x176: {  	s21 =	simm.s32 $0x3900  }
0x177: {  	[hbm4b:s29+s2] =	stream.indirect_vreg.scatter [tilespmem:s21], [sflag:$0x4], $0x80, v12, vm0, $0xb8;
	[tilespmem:$0x1C900] =	vst v63  }
0x178: {  	s21 =	simm.s32 $0x4100  }
0x179: {  	[hbm4b:s16+s2] =	stream.indirect_vreg.scatter [tilespmem:s21], [sflag:$0x4], $0x80, v12, vm0, $0xb8;
	[tilespmem:$0x1C900] =	vst v63  }
0x17a: {  	s21 =	simm.s32 $0x4900  }
0x17b: {  	[hbm4b:s1+s2] =	stream.indirect_vreg.scatter [tilespmem:s21], [sflag:$0x4], $0x80, v12, vm0, $0xb8;
	[tilespmem:$0x1C900] =	vst v63  }
0x17c: {  	s21 =	simm.s32 $0x5100  }
0x17d: {  	[hbm4b:s17+s2] =	stream.indirect_vreg.scatter [tilespmem:s21], [sflag:$0x4], $0x80, v12, vm0, $0xb8;
	[tilespmem:$0x1C900] =	vst v63  }
0x17e: {  	s21 =	simm.s32 $0x5900  }
0x17f: {  	[hbm4b:s0+s2] =	stream.indirect_vreg.scatter [tilespmem:s21], [sflag:$0x4], $0x80, v12, vm0, $0xb8;
	[tilespmem:$0x1C900] =	vst v63  }
0x180: {  	_ = 	snop  }
0x181: {  	[hbm4b:s18+s2] =	stream.indirect_vreg.scatter [tilespmem:s7], [sflag:$0x4], $0x80, v12, vm0, $0xb8;
	[tilespmem:$0x1C900] =	vst v63  }
0x182: {  	s21 =	simm.s32 $0x6900  }
0x183: {  	[hbm4b:s3+s2] =	stream.indirect_vreg.scatter [tilespmem:s21], [sflag:$0x4], $0x80, v12, vm0, $0xb8;
	[tilespmem:$0x1C900] =	vst v63  }
0x184: {  	s21 =	simm.s32 $0x7100  }
0x185: {  	[hbm4b:s19+s2] =	stream.indirect_vreg.scatter [tilespmem:s21], [sflag:$0x4], $0x80, v12, vm0, $0xb8;
	[tilespmem:$0x1C900] =	vst v63  }
0x186: {  	s21 =	simm.s32 $0x7900  }
0x187: {  	[hbm4b:s8+s2] =	stream.indirect_vreg.scatter [tilespmem:s21], [sflag:$0x4], $0x80, v12, vm0, $0xb8;
	[tilespmem:$0x1C900] =	vst v63  }
0x188: {  	s21 =	simm.s32 $0x8100  }
0x189: {  	[hbm4b:s20+s2] =	stream.indirect_vreg.scatter [tilespmem:s21], [sflag:$0x4], $0x80, v12, vm0, $0xb8;
	[tilespmem:$0x1C900] =	vst v63  }
0x18a: {  	_ =	swait.ge [sflag:s11], $0x8000  }
0x18b: {  	[sflag:s11] =	ssyncset.done $0x0  }
0x18c: {  	s7 =	rddreg [dreg:$0xc];
	[sflag:s11] =	ssyncadd.s32 $0xFFFF8000  }
0x18d: {  	[tilespmem:s31], [sflag:$0x3] =	stream.linear.gather [hbm4b:s7+s2], $0x8000, $0x38;
	[tilespmem:$0x1C900] =	vst v63  }
0x18e: {  	_ =	swait.ge [sflag:s26], $0x8000  }
0x18f: {  	[sflag:s26] =	ssyncset.done $0x0  }
0x190: {  	[sflag:s26] =	ssyncadd.s32 $0xFFFF8000  }
0x191: {  	v52 =	vld.msk [tilespmem:$0x400], $0xff;
	_ =	sdelay $0x4  }
0x192: {  	v53 =	vshll.u32 v52, $0xA  }
0x193: {  	v12 =	vand.u32 $0x7, v52;
	v13 =	vand.u32 $0xFFFFE000, v53  }
0x194: {  	v12 =	vor.u32 v12, v13  }
0x195: {  	v12 =	vperm.xlane v12, v8;
	_ =	sdelay $0x1  }
0x196: {  	v12 =	vadd.s32 v9, v12;
	_ =	sdelay $0x4  }
0x197: {  	[hbm4b:s4+s2] =	stream.indirect_vreg.scatter [tilespmem:s6], [sflag:$0x5], $0x80, v12, vm0, $0xb8;
	[tilespmem:$0x1C900] =	vst v63  }
0x198: {  	_ = 	snop  }
0x199: {  	[hbm4b:s12+s2] =	stream.indirect_vreg.scatter [tilespmem:s30], [sflag:$0x5], $0x80, v12, vm0, $0xb8;
	[tilespmem:$0x1C900] =	vst v63  }
0x19a: {  	s21 =	simm.s32 $0x9900  }
0x19b: {  	[hbm4b:s14+s2] =	stream.indirect_vreg.scatter [tilespmem:s21], [sflag:$0x5], $0x80, v12, vm0, $0xb8;
	[tilespmem:$0x1C900] =	vst v63  }
0x19c: {  	s21 =	simm.s32 $0xA100  }
0x19d: {  	[hbm4b:s13+s2] =	stream.indirect_vreg.scatter [tilespmem:s21], [sflag:$0x5], $0x80, v12, vm0, $0xb8;
	[tilespmem:$0x1C900] =	vst v63  }
0x19e: {  	s21 =	simm.s32 $0xA900  }
0x19f: {  	[hbm4b:s28+s2] =	stream.indirect_vreg.scatter [tilespmem:s21], [sflag:$0x5], $0x80, v12, vm0, $0xb8;
	[tilespmem:$0x1C900] =	vst v63  }
0x1a0: {  	_ = 	snop  }
0x1a1: {  	[hbm4b:s15+s2] =	stream.indirect_vreg.scatter [tilespmem:s22], [sflag:$0x5], $0x80, v12, vm0, $0xb8;
	[tilespmem:$0x1C900] =	vst v63  }
0x1a2: {  	_ = 	snop  }
0x1a3: {  	[hbm4b:s29+s2] =	stream.indirect_vreg.scatter [tilespmem:s23], [sflag:$0x5], $0x80, v12, vm0, $0xb8;
	[tilespmem:$0x1C900] =	vst v63  }
0x1a4: {  	s7 =	simm.s32 $0xC100  }
0x1a5: {  	[hbm4b:s16+s2] =	stream.indirect_vreg.scatter [tilespmem:s7], [sflag:$0x5], $0x80, v12, vm0, $0xb8;
	[tilespmem:$0x1C900] =	vst v63  }
0x1a6: {  	s7 =	simm.s32 $0xC900  }
0x1a7: {  	[hbm4b:s1+s2] =	stream.indirect_vreg.scatter [tilespmem:s7], [sflag:$0x5], $0x80, v12, vm0, $0xb8;
	[tilespmem:$0x1C900] =	vst v63  }
0x1a8: {  	s7 =	simm.s32 $0xD100  }
0x1a9: {  	[hbm4b:s17+s2] =	stream.indirect_vreg.scatter [tilespmem:s7], [sflag:$0x5], $0x80, v12, vm0, $0xb8;
	[tilespmem:$0x1C900] =	vst v63  }
0x1aa: {  	s7 =	simm.s32 $0xD900  }
0x1ab: {  	[hbm4b:s0+s2] =	stream.indirect_vreg.scatter [tilespmem:s7], [sflag:$0x5], $0x80, v12, vm0, $0xb8;
	[tilespmem:$0x1C900] =	vst v63  }
0x1ac: {  	s7 =	simm.s32 $0xE100  }
0x1ad: {  	[hbm4b:s18+s2] =	stream.indirect_vreg.scatter [tilespmem:s7], [sflag:$0x5], $0x80, v12, vm0, $0xb8;
	[tilespmem:$0x1C900] =	vst v63  }
0x1ae: {  	s7 =	simm.s32 $0xE900  }
0x1af: {  	[hbm4b:s3+s2] =	stream.indirect_vreg.scatter [tilespmem:s7], [sflag:$0x5], $0x80, v12, vm0, $0xb8;
	[tilespmem:$0x1C900] =	vst v63  }
0x1b0: {  	s7 =	simm.s32 $0xF100  }
0x1b1: {  	[hbm4b:s19+s2] =	stream.indirect_vreg.scatter [tilespmem:s7], [sflag:$0x5], $0x80, v12, vm0, $0xb8;
	[tilespmem:$0x1C900] =	vst v63  }
0x1b2: {  	s7 =	simm.s32 $0xF900  }
0x1b3: {  	[hbm4b:s8+s2] =	stream.indirect_vreg.scatter [tilespmem:s7], [sflag:$0x5], $0x80, v12, vm0, $0xb8;
	[tilespmem:$0x1C900] =	vst v63  }
0x1b4: {  	s7 =	simm.s32 $0x10100  }
0x1b5: {  	[hbm4b:s20+s2] =	stream.indirect_vreg.scatter [tilespmem:s7], [sflag:$0x5], $0x80, v12, vm0, $0xb8;
	[tilespmem:$0x1C900] =	vst v63  }
0x1b6: {  	_ =	swait.ge [sflag:s25], $0x8000  }
0x1b7: {  	[sflag:s25] =	ssyncset.done $0x0  }
0x1b8: {  	s9 =	simm.s32 $0x900;
	s7 =	rddreg [dreg:$0xd];
	[sflag:s25] =	ssyncadd.s32 $0xFFFF8000  }
0x1b9: {  	[tilespmem:s9], [sflag:$0x1] =	stream.linear.gather [hbm4b:s7+s2], $0x8000, $0x38;
	[tilespmem:$0x1C900] =	vst v63  }
0x1ba: {  	_ =	swait.ge [sflag:s5], $0x8000  }
0x1bb: {  	[sflag:s5] =	ssyncset.done $0x0  }
0x1bc: {  	[sflag:s5] =	ssyncadd.s32 $0xFFFF8000  }
0x1bd: {  	v54 =	vld.msk [tilespmem:$0x480], $0xff;
	_ =	sdelay $0x4  }
0x1be: {  	v55 =	vshll.u32 v54, $0xA  }
0x1bf: {  	v12 =	vand.u32 $0x7, v54;
	v13 =	vand.u32 $0xFFFFE000, v55  }
0x1c0: {  	v12 =	vor.u32 v12, v13  }
0x1c1: {  	v12 =	vperm.xlane v12, v8;
	_ =	sdelay $0x1  }
0x1c2: {  	v12 =	vadd.s32 v9, v12;
	_ =	sdelay $0x4  }
0x1c3: {  	[hbm4b:s4+s2] =	stream.indirect_vreg.scatter [tilespmem:s31], [sflag:$0x6], $0x80, v12, vm0, $0xb8;
	[tilespmem:$0x1C900] =	vst v63  }
0x1c4: {  	s7 =	simm.s32 $0x11100  }
0x1c5: {  	[hbm4b:s12+s2] =	stream.indirect_vreg.scatter [tilespmem:s7], [sflag:$0x6], $0x80, v12, vm0, $0xb8;
	[tilespmem:$0x1C900] =	vst v63  }
0x1c6: {  	s21 =	simm.s32 $0x11900  }
0x1c7: {  	[hbm4b:s14+s2] =	stream.indirect_vreg.scatter [tilespmem:s21], [sflag:$0x6], $0x80, v12, vm0, $0xb8;
	[tilespmem:$0x1C900] =	vst v63  }
0x1c8: {  	s21 =	simm.s32 $0x12100  }
0x1c9: {  	[hbm4b:s13+s2] =	stream.indirect_vreg.scatter [tilespmem:s21], [sflag:$0x6], $0x80, v12, vm0, $0xb8;
	[tilespmem:$0x1C900] =	vst v63  }
0x1ca: {  	s21 =	simm.s32 $0x12900  }
0x1cb: {  	[hbm4b:s28+s2] =	stream.indirect_vreg.scatter [tilespmem:s21], [sflag:$0x6], $0x80, v12, vm0, $0xb8;
	[tilespmem:$0x1C900] =	vst v63  }
0x1cc: {  	s21 =	simm.s32 $0x13100  }
0x1cd: {  	[hbm4b:s15+s2] =	stream.indirect_vreg.scatter [tilespmem:s21], [sflag:$0x6], $0x80, v12, vm0, $0xb8;
	[tilespmem:$0x1C900] =	vst v63  }
0x1ce: {  	s21 =	simm.s32 $0x13900  }
0x1cf: {  	[hbm4b:s29+s2] =	stream.indirect_vreg.scatter [tilespmem:s21], [sflag:$0x6], $0x80, v12, vm0, $0xb8;
	[tilespmem:$0x1C900] =	vst v63  }
0x1d0: {  	s21 =	simm.s32 $0x14100  }
0x1d1: {  	[hbm4b:s16+s2] =	stream.indirect_vreg.scatter [tilespmem:s21], [sflag:$0x6], $0x80, v12, vm0, $0xb8;
	[tilespmem:$0x1C900] =	vst v63  }
0x1d2: {  	s21 =	simm.s32 $0x14900  }
0x1d3: {  	[hbm4b:s1+s2] =	stream.indirect_vreg.scatter [tilespmem:s21], [sflag:$0x6], $0x80, v12, vm0, $0xb8;
	[tilespmem:$0x1C900] =	vst v63  }
0x1d4: {  	s21 =	simm.s32 $0x15100  }
0x1d5: {  	[hbm4b:s17+s2] =	stream.indirect_vreg.scatter [tilespmem:s21], [sflag:$0x6], $0x80, v12, vm0, $0xb8;
	[tilespmem:$0x1C900] =	vst v63  }
0x1d6: {  	s21 =	simm.s32 $0x15900  }
0x1d7: {  	[hbm4b:s0+s2] =	stream.indirect_vreg.scatter [tilespmem:s21], [sflag:$0x6], $0x80, v12, vm0, $0xb8;
	[tilespmem:$0x1C900] =	vst v63  }
0x1d8: {  	s21 =	simm.s32 $0x16100  }
0x1d9: {  	[hbm4b:s18+s2] =	stream.indirect_vreg.scatter [tilespmem:s21], [sflag:$0x6], $0x80, v12, vm0, $0xb8;
	[tilespmem:$0x1C900] =	vst v63  }
0x1da: {  	s21 =	simm.s32 $0x16900  }
0x1db: {  	[hbm4b:s3+s2] =	stream.indirect_vreg.scatter [tilespmem:s21], [sflag:$0x6], $0x80, v12, vm0, $0xb8;
	[tilespmem:$0x1C900] =	vst v63  }
0x1dc: {  	s21 =	simm.s32 $0x17100  }
0x1dd: {  	[hbm4b:s19+s2] =	stream.indirect_vreg.scatter [tilespmem:s21], [sflag:$0x6], $0x80, v12, vm0, $0xb8;
	[tilespmem:$0x1C900] =	vst v63  }
0x1de: {  	s21 =	simm.s32 $0x17900  }
0x1df: {  	[hbm4b:s8+s2] =	stream.indirect_vreg.scatter [tilespmem:s21], [sflag:$0x6], $0x80, v12, vm0, $0xb8;
	[tilespmem:$0x1C900] =	vst v63  }
0x1e0: {  	s21 =	simm.s32 $0x18100  }
0x1e1: {  	[hbm4b:s20+s2] =	stream.indirect_vreg.scatter [tilespmem:s21], [sflag:$0x6], $0x80, v12, vm0, $0xb8;
	[tilespmem:$0x1C900] =	vst v63  }
0x1e2: {  	_ =	swait.ge [sflag:s24], $0x8000  }
0x1e3: {  	[sflag:s24] =	ssyncset.done $0x0  }
0x1e4: {  	s6 =	simm.s32 $0x8900;
	s21 =	rddreg [dreg:$0xe];
	[sflag:s24] =	ssyncadd.s32 $0xFFFF8000  }
0x1e5: {  	[tilespmem:s6], [sflag:$0x2] =	stream.linear.gather [hbm4b:s21+s2], $0x8000, $0x38;
	[tilespmem:$0x1C900] =	vst v63  }
0x1e6: {  	_ =	swait.ge [sflag:s10], $0x8000  }
0x1e7: {  	[sflag:s10] =	ssyncset.done $0x0  }
0x1e8: {  	[sflag:s10] =	ssyncadd.s32 $0xFFFF8000  }
0x1e9: {  	v56 =	vld.msk [tilespmem:$0x500], $0xff;
	_ =	sdelay $0x4  }
0x1ea: {  	v57 =	vshll.u32 v56, $0xA  }
0x1eb: {  	v12 =	vand.u32 $0x7, v56;
	v13 =	vand.u32 $0xFFFFE000, v57  }
0x1ec: {  	v12 =	vor.u32 v12, v13  }
0x1ed: {  	v12 =	vperm.xlane v12, v8;
	_ =	sdelay $0x1  }
0x1ee: {  	v12 =	vadd.s32 v9, v12;
	_ =	sdelay $0x4  }
0x1ef: {  	[hbm4b:s4+s2] =	stream.indirect_vreg.scatter [tilespmem:s9], [sflag:$0x4], $0x80, v12, vm0, $0xb8;
	[tilespmem:$0x1C900] =	vst v63  }
0x1f0: {  	s21 =	simm.s32 $0x1100  }
0x1f1: {  	[hbm4b:s12+s2] =	stream.indirect_vreg.scatter [tilespmem:s21], [sflag:$0x4], $0x80, v12, vm0, $0xb8;
	[tilespmem:$0x1C900] =	vst v63  }
0x1f2: {  	s21 =	simm.s32 $0x1900  }
0x1f3: {  	[hbm4b:s14+s2] =	stream.indirect_vreg.scatter [tilespmem:s21], [sflag:$0x4], $0x80, v12, vm0, $0xb8;
	[tilespmem:$0x1C900] =	vst v63  }
0x1f4: {  	s21 =	simm.s32 $0x2100  }
0x1f5: {  	[hbm4b:s13+s2] =	stream.indirect_vreg.scatter [tilespmem:s21], [sflag:$0x4], $0x80, v12, vm0, $0xb8;
	[tilespmem:$0x1C900] =	vst v63  }
0x1f6: {  	s21 =	simm.s32 $0x2900  }
0x1f7: {  	[hbm4b:s28+s2] =	stream.indirect_vreg.scatter [tilespmem:s21], [sflag:$0x4], $0x80, v12, vm0, $0xb8;
	[tilespmem:$0x1C900] =	vst v63  }
0x1f8: {  	s21 =	simm.s32 $0x3100  }
0x1f9: {  	[hbm4b:s15+s2] =	stream.indirect_vreg.scatter [tilespmem:s21], [sflag:$0x4], $0x80, v12, vm0, $0xb8;
	[tilespmem:$0x1C900] =	vst v63  }
0x1fa: {  	s21 =	simm.s32 $0x3900  }
0x1fb: {  	[hbm4b:s29+s2] =	stream.indirect_vreg.scatter [tilespmem:s21], [sflag:$0x4], $0x80, v12, vm0, $0xb8;
	[tilespmem:$0x1C900] =	vst v63  }
0x1fc: {  	s21 =	simm.s32 $0x4100  }
0x1fd: {  	[hbm4b:s16+s2] =	stream.indirect_vreg.scatter [tilespmem:s21], [sflag:$0x4], $0x80, v12, vm0, $0xb8;
	[tilespmem:$0x1C900] =	vst v63  }
0x1fe: {  	s21 =	simm.s32 $0x4900  }
0x1ff: {  	[hbm4b:s1+s2] =	stream.indirect_vreg.scatter [tilespmem:s21], [sflag:$0x4], $0x80, v12, vm0, $0xb8;
	[tilespmem:$0x1C900] =	vst v63  }
0x200: {  	s21 =	simm.s32 $0x5100  }
0x201: {  	[hbm4b:s17+s2] =	stream.indirect_vreg.scatter [tilespmem:s21], [sflag:$0x4], $0x80, v12, vm0, $0xb8;
	[tilespmem:$0x1C900] =	vst v63  }
0x202: {  	s21 =	simm.s32 $0x5900  }
0x203: {  	[hbm4b:s0+s2] =	stream.indirect_vreg.scatter [tilespmem:s21], [sflag:$0x4], $0x80, v12, vm0, $0xb8;
	[tilespmem:$0x1C900] =	vst v63  }
0x204: {  	s21 =	simm.s32 $0x6100  }
0x205: {  	[hbm4b:s18+s2] =	stream.indirect_vreg.scatter [tilespmem:s21], [sflag:$0x4], $0x80, v12, vm0, $0xb8;
	[tilespmem:$0x1C900] =	vst v63  }
0x206: {  	s21 =	simm.s32 $0x6900  }
0x207: {  	[hbm4b:s3+s2] =	stream.indirect_vreg.scatter [tilespmem:s21], [sflag:$0x4], $0x80, v12, vm0, $0xb8;
	[tilespmem:$0x1C900] =	vst v63  }
0x208: {  	s21 =	simm.s32 $0x7100  }
0x209: {  	[hbm4b:s19+s2] =	stream.indirect_vreg.scatter [tilespmem:s21], [sflag:$0x4], $0x80, v12, vm0, $0xb8;
	[tilespmem:$0x1C900] =	vst v63  }
0x20a: {  	s21 =	simm.s32 $0x7900  }
0x20b: {  	[hbm4b:s8+s2] =	stream.indirect_vreg.scatter [tilespmem:s21], [sflag:$0x4], $0x80, v12, vm0, $0xb8;
	[tilespmem:$0x1C900] =	vst v63  }
0x20c: {  	s21 =	simm.s32 $0x8100  }
0x20d: {  	[hbm4b:s20+s2] =	stream.indirect_vreg.scatter [tilespmem:s21], [sflag:$0x4], $0x80, v12, vm0, $0xb8;
	[tilespmem:$0x1C900] =	vst v63  }
0x20e: {  	_ =	swait.ge [sflag:s11], $0x8000  }
0x20f: {  	[sflag:s11] =	ssyncset.done $0x0  }
0x210: {  	s9 =	rddreg [dreg:$0xf];
	[sflag:s11] =	ssyncadd.s32 $0xFFFF8000  }
0x211: {  	[tilespmem:s31], [sflag:$0x3] =	stream.linear.gather [hbm4b:s9+s2], $0x8000, $0x38;
	[tilespmem:$0x1C900] =	vst v63  }
0x212: {  	_ =	swait.ge [sflag:s26], $0x8000  }
0x213: {  	[sflag:s26] =	ssyncset.done $0x0  }
0x214: {  	[sflag:s26] =	ssyncadd.s32 $0xFFFF8000  }
0x215: {  	v58 =	vld.msk [tilespmem:$0x580], $0xff;
	_ =	sdelay $0x4  }
0x216: {  	v59 =	vshll.u32 v58, $0xA  }
0x217: {  	v12 =	vand.u32 $0x7, v58;
	v13 =	vand.u32 $0xFFFFE000, v59  }
0x218: {  	v12 =	vor.u32 v12, v13  }
0x219: {  	v12 =	vperm.xlane v12, v8;
	_ =	sdelay $0x1  }
0x21a: {  	v12 =	vadd.s32 v9, v12;
	_ =	sdelay $0x4  }
0x21b: {  	[hbm4b:s4+s2] =	stream.indirect_vreg.scatter [tilespmem:s6], [sflag:$0x5], $0x80, v12, vm0, $0xb8;
	[tilespmem:$0x1C900] =	vst v63  }
0x21c: {  	s30 =	simm.s32 $0x9100  }
0x21d: {  	[hbm4b:s12+s2] =	stream.indirect_vreg.scatter [tilespmem:s30], [sflag:$0x5], $0x80, v12, vm0, $0xb8;
	[tilespmem:$0x1C900] =	vst v63  }
0x21e: {  	s30 =	simm.s32 $0x9900  }
0x21f: {  	[hbm4b:s14+s2] =	stream.indirect_vreg.scatter [tilespmem:s30], [sflag:$0x5], $0x80, v12, vm0, $0xb8;
	[tilespmem:$0x1C900] =	vst v63  }
0x220: {  	s9 =	simm.s32 $0xA100  }
0x221: {  	[hbm4b:s13+s2] =	stream.indirect_vreg.scatter [tilespmem:s9], [sflag:$0x5], $0x80, v12, vm0, $0xb8;
	[tilespmem:$0x1C900] =	vst v63  }
0x222: {  	s21 =	simm.s32 $0xA900  }
0x223: {  	[hbm4b:s28+s2] =	stream.indirect_vreg.scatter [tilespmem:s21], [sflag:$0x5], $0x80, v12, vm0, $0xb8;
	[tilespmem:$0x1C900] =	vst v63  }
0x224: {  	s22 =	simm.s32 $0xB100  }
0x225: {  	[hbm4b:s15+s2] =	stream.indirect_vreg.scatter [tilespmem:s22], [sflag:$0x5], $0x80, v12, vm0, $0xb8;
	[tilespmem:$0x1C900] =	vst v63  }
0x226: {  	s23 =	simm.s32 $0xB900  }
0x227: {  	[hbm4b:s29+s2] =	stream.indirect_vreg.scatter [tilespmem:s23], [sflag:$0x5], $0x80, v12, vm0, $0xb8;
	[tilespmem:$0x1C900] =	vst v63  }
0x228: {  	s23 =	simm.s32 $0xC100  }
0x229: {  	[hbm4b:s16+s2] =	stream.indirect_vreg.scatter [tilespmem:s23], [sflag:$0x5], $0x80, v12, vm0, $0xb8;
	[tilespmem:$0x1C900] =	vst v63  }
0x22a: {  	s30 =	simm.s32 $0xC900  }
0x22b: {  	[hbm4b:s1+s2] =	stream.indirect_vreg.scatter [tilespmem:s30], [sflag:$0x5], $0x80, v12, vm0, $0xb8;
	[tilespmem:$0x1C900] =	vst v63  }
0x22c: {  	s9 =	simm.s32 $0xD100  }
0x22d: {  	[hbm4b:s17+s2] =	stream.indirect_vreg.scatter [tilespmem:s9], [sflag:$0x5], $0x80, v12, vm0, $0xb8;
	[tilespmem:$0x1C900] =	vst v63  }
0x22e: {  	s21 =	simm.s32 $0xD900  }
0x22f: {  	[hbm4b:s0+s2] =	stream.indirect_vreg.scatter [tilespmem:s21], [sflag:$0x5], $0x80, v12, vm0, $0xb8;
	[tilespmem:$0x1C900] =	vst v63  }
0x230: {  	s22 =	simm.s32 $0xE100  }
0x231: {  	[hbm4b:s18+s2] =	stream.indirect_vreg.scatter [tilespmem:s22], [sflag:$0x5], $0x80, v12, vm0, $0xb8;
	[tilespmem:$0x1C900] =	vst v63  }
0x232: {  	s23 =	simm.s32 $0xE900  }
0x233: {  	[hbm4b:s3+s2] =	stream.indirect_vreg.scatter [tilespmem:s23], [sflag:$0x5], $0x80, v12, vm0, $0xb8;
	[tilespmem:$0x1C900] =	vst v63  }
0x234: {  	s30 =	simm.s32 $0xF100  }
0x235: {  	[hbm4b:s19+s2] =	stream.indirect_vreg.scatter [tilespmem:s30], [sflag:$0x5], $0x80, v12, vm0, $0xb8;
	[tilespmem:$0x1C900] =	vst v63  }
0x236: {  	s9 =	simm.s32 $0xF900  }
0x237: {  	[hbm4b:s8+s2] =	stream.indirect_vreg.scatter [tilespmem:s9], [sflag:$0x5], $0x80, v12, vm0, $0xb8;
	[tilespmem:$0x1C900] =	vst v63  }
0x238: {  	s21 =	simm.s32 $0x10100  }
0x239: {  	[hbm4b:s20+s2] =	stream.indirect_vreg.scatter [tilespmem:s21], [sflag:$0x5], $0x80, v12, vm0, $0xb8;
	[tilespmem:$0x1C900] =	vst v63  }
0x23a: {  	_ =	swait.ge [sflag:s25], $0x8000  }
0x23b: {  	s22 =	rddreg [dreg:$0x10]  }
0x23c: {  	s23 =	rddreg [dreg:$0x11];
	[sflag:s25] =	ssyncset.done $0x0  }
0x23d: {  	s6 =	simm.s32 $0x18900;
	s30 =	rddreg [dreg:$0x12];
	[sflag:s25] =	ssyncadd.s32 $0xFFFF8000  }
0x23e: {  	[tilespmem:s6], [sflag:$0x1] =	stream.strided.gather [hbm4b:s22+s23], $0x4000, s30, s23, $0x38;
	[tilespmem:$0x1C900] =	vst v63  }
0x23f: {  	_ =	swait.ge [sflag:s5], $0x8000  }
0x240: {  	[sflag:s5] =	ssyncset.done $0x0  }
0x241: {  	[sflag:s5] =	ssyncadd.s32 $0xFFFF8000  }
0x242: {  	v60 =	vld.msk [tilespmem:$0x600], $0xff;
	_ =	sdelay $0x4  }
0x243: {  	v61 =	vshll.u32 v60, $0xA  }
0x244: {  	v12 =	vand.u32 $0x7, v60;
	v13 =	vand.u32 $0xFFFFE000, v61  }
0x245: {  	v12 =	vor.u32 v12, v13  }
0x246: {  	v12 =	vperm.xlane v12, v8;
	_ =	sdelay $0x1  }
0x247: {  	v12 =	vadd.s32 v9, v12;
	_ =	sdelay $0x4  }
0x248: {  	[hbm4b:s4+s2] =	stream.indirect_vreg.scatter [tilespmem:s31], [sflag:$0x6], $0x80, v12, vm0, $0xb8;
	[tilespmem:$0x1C900] =	vst v63  }
0x249: {  	_ = 	snop  }
0x24a: {  	[hbm4b:s12+s2] =	stream.indirect_vreg.scatter [tilespmem:s7], [sflag:$0x6], $0x80, v12, vm0, $0xb8;
	[tilespmem:$0x1C900] =	vst v63  }
0x24b: {  	s7 =	simm.s32 $0x11900  }
0x24c: {  	[hbm4b:s14+s2] =	stream.indirect_vreg.scatter [tilespmem:s7], [sflag:$0x6], $0x80, v12, vm0, $0xb8;
	[tilespmem:$0x1C900] =	vst v63  }
0x24d: {  	s9 =	simm.s32 $0x12100  }
0x24e: {  	[hbm4b:s13+s2] =	stream.indirect_vreg.scatter [tilespmem:s9], [sflag:$0x6], $0x80, v12, vm0, $0xb8;
	[tilespmem:$0x1C900] =	vst v63  }
0x24f: {  	s13 =	simm.s32 $0x12900  }
0x250: {  	[hbm4b:s28+s2] =	stream.indirect_vreg.scatter [tilespmem:s13], [sflag:$0x6], $0x80, v12, vm0, $0xb8;
	[tilespmem:$0x1C900] =	vst v63  }
0x251: {  	s21 =	simm.s32 $0x13100  }
0x252: {  	[hbm4b:s15+s2] =	stream.indirect_vreg.scatter [tilespmem:s21], [sflag:$0x6], $0x80, v12, vm0, $0xb8;
	[tilespmem:$0x1C900] =	vst v63  }
0x253: {  	s22 =	simm.s32 $0x13900  }
0x254: {  	[hbm4b:s29+s2] =	stream.indirect_vreg.scatter [tilespmem:s22], [sflag:$0x6], $0x80, v12, vm0, $0xb8;
	[tilespmem:$0x1C900] =	vst v63  }
0x255: {  	s23 =	simm.s32 $0x14100  }
0x256: {  	[hbm4b:s16+s2] =	stream.indirect_vreg.scatter [tilespmem:s23], [sflag:$0x6], $0x80, v12, vm0, $0xb8;
	[tilespmem:$0x1C900] =	vst v63  }
0x257: {  	s30 =	simm.s32 $0x14900  }
0x258: {  	[hbm4b:s1+s2] =	stream.indirect_vreg.scatter [tilespmem:s30], [sflag:$0x6], $0x80, v12, vm0, $0xb8;
	[tilespmem:$0x1C900] =	vst v63  }
0x259: {  	s7 =	simm.s32 $0x15100  }
0x25a: {  	[hbm4b:s17+s2] =	stream.indirect_vreg.scatter [tilespmem:s7], [sflag:$0x6], $0x80, v12, vm0, $0xb8;
	[tilespmem:$0x1C900] =	vst v63  }
0x25b: {  	s9 =	simm.s32 $0x15900  }
0x25c: {  	[hbm4b:s0+s2] =	stream.indirect_vreg.scatter [tilespmem:s9], [sflag:$0x6], $0x80, v12, vm0, $0xb8;
	[tilespmem:$0x1C900] =	vst v63  }
0x25d: {  	s13 =	simm.s32 $0x16100  }
0x25e: {  	[hbm4b:s18+s2] =	stream.indirect_vreg.scatter [tilespmem:s13], [sflag:$0x6], $0x80, v12, vm0, $0xb8;
	[tilespmem:$0x1C900] =	vst v63  }
0x25f: {  	s15 =	simm.s32 $0x16900  }
0x260: {  	[hbm4b:s3+s2] =	stream.indirect_vreg.scatter [tilespmem:s15], [sflag:$0x6], $0x80, v12, vm0, $0xb8;
	[tilespmem:$0x1C900] =	vst v63  }
0x261: {  	s16 =	simm.s32 $0x17100  }
0x262: {  	[hbm4b:s19+s2] =	stream.indirect_vreg.scatter [tilespmem:s16], [sflag:$0x6], $0x80, v12, vm0, $0xb8;
	[tilespmem:$0x1C900] =	vst v63  }
0x263: {  	s17 =	simm.s32 $0x17900  }
0x264: {  	[hbm4b:s8+s2] =	stream.indirect_vreg.scatter [tilespmem:s17], [sflag:$0x6], $0x80, v12, vm0, $0xb8;
	[tilespmem:$0x1C900] =	vst v63  }
0x265: {  	s18 =	simm.s32 $0x18100  }
0x266: {  	[hbm4b:s20+s2] =	stream.indirect_vreg.scatter [tilespmem:s18], [sflag:$0x6], $0x80, v12, vm0, $0xb8;
	[tilespmem:$0x1C900] =	vst v63  }
0x267: {  	_ =	swait.ge [sflag:s10], $0x4000  }
0x268: {  	[sflag:s10] =	ssyncset.done $0x0  }
0x269: {  	[sflag:s10] =	ssyncadd.s32 $0xFFFFC000  }
0x26a: {  	v62 =	vld.msk [tilespmem:$0x880], $0xf;
	_ =	sdelay $0x4  }
0x26b: {  	v63 =	vshll.u32 v62, $0xA  }
0x26c: {  	v12 =	vand.u32 $0x7, v62;
	v13 =	vand.u32 $0xFFFFE000, v63  }
0x26d: {  	v12 =	vor.u32 v12, v13  }
0x26e: {  	v12 =	vperm.xlane v12, v10;
	_ =	sdelay $0x1  }
0x26f: {  	v12 =	vadd.s32 v11, v12;
	_ =	sdelay $0x4  }
0x270: {  	[hbm4b:s4+s2] =	stream.indirect_vreg.scatter [tilespmem:s6], [sflag:$0x4], $0x80, v12, vm0, $0xb8;
	[tilespmem:$0x1C900] =	vst v63  }
0x271: {  	s19 =	rddreg [dreg:$0x13]  }
0x272: {  	[hbm4b:s14+s2] =	stream.indirect_vreg.scatter [tilespmem:s19], [sflag:$0x4], $0x80, v12, vm0, $0xb8;
	[tilespmem:$0x1C900] =	vst v63  }
0x273: {  	s20 =	rddreg [dreg:$0x14]  }
0x274: {  	[hbm4b:s28+s2] =	stream.indirect_vreg.scatter [tilespmem:s20], [sflag:$0x4], $0x80, v12, vm0, $0xb8;
	[tilespmem:$0x1C900] =	vst v63  }
0x275: {  	s21 =	rddreg [dreg:$0x15]  }
0x276: {  	[hbm4b:s29+s2] =	stream.indirect_vreg.scatter [tilespmem:s21], [sflag:$0x4], $0x80, v12, vm0, $0xb8;
	[tilespmem:$0x1C900] =	vst v63  }
0x277: {  	s22 =	rddreg [dreg:$0x16]  }
0x278: {  	[hbm4b:s1+s2] =	stream.indirect_vreg.scatter [tilespmem:s22], [sflag:$0x4], $0x80, v12, vm0, $0xb8;
	[tilespmem:$0x1C900] =	vst v63  }
0x279: {  	s23 =	rddreg [dreg:$0x17]  }
0x27a: {  	[hbm4b:s0+s2] =	stream.indirect_vreg.scatter [tilespmem:s23], [sflag:$0x4], $0x80, v12, vm0, $0xb8;
	[tilespmem:$0x1C900] =	vst v63  }
0x27b: {  	s28 =	rddreg [dreg:$0x18]  }
0x27c: {  	[hbm4b:s3+s2] =	stream.indirect_vreg.scatter [tilespmem:s28], [sflag:$0x4], $0x80, v12, vm0, $0xb8;
	[tilespmem:$0x1C900] =	vst v63  }
0x27d: {  	s29 =	rddreg [dreg:$0x19]  }
0x27e: {  	[hbm4b:s8+s2] =	stream.indirect_vreg.scatter [tilespmem:s29], [sflag:$0x4], $0x80, v12, vm0, $0xb8;
	[tilespmem:$0x1C900] =	vst v63  }
0x27f: {  	s30 =	rddreg [dreg:$0x1b];
	_ =	swait.ge [sflag:s25], $0x4000  }
0x280: {  	[sflag:s25] =	ssyncset.done $0x0  }
0x281: {  	[sflag:s25] =	ssyncadd.s32 $0xFFFFC000  }
0x282: {  	p0 =	sne.s32 s30, $0x1;
	_ =	swait.ge [sflag:s24], $0x8000  }
.Ltmp0:
0x283: {  	[sflag:s24] =	ssyncset.done $0x0;
	(pc) =	sbr.rel @p0 .LBB2_1-.Ltmp0, $4  }
0x284: {  	[sflag:s24] =	ssyncadd.s32 $0xFFFF8000  }
0x285: {  	_ =	swait.ge [sflag:s11], $0x8000  }
0x286: {  	[sflag:s11] =	ssyncset.done $0x0  }
0x287: {  	s1 =	sadd.s32 $0xFFFFFFFF, s30;
	[sflag:s11] =	ssyncadd.s32 $0xFFFF8000  }
0x288: {  	_ =	sfence.sel $0x180000  }
0x289: {  	[bflag:$0x0] =	sbarrier.arrive $0xFFFF  }
0x28a: {  	_ =	strace $0x90000047  }
0x28b: {  	s0 =	stileid.u32;
	[bflag:$0x2] =	sbarrier.arrive $0xFFFF  }
0x28c: {  	p0 =	sne.s32 s0, $0x0;
	s0 =	rddreg [dreg:$0x3]  }
0x28d: {  	s0 =	sadd.s32 @!p0 $0x100000, s0  }
0x28e: {  	[sflag:s0] =	ssyncadd.tile.s32 @!p0 $0x1;
	_ =	shalt  }
.Lfunc_end2:
_tile_overlayer_lowered:
.L_overlay_start_2:
0x28f: {  	(tag) =	ssettag $0x2  }
0x290: {  	s0 =	rddreg [dreg:$0x0];
	s2 =	stileid.u32  }
0x291: {  	s1 =	rddreg [dreg:$0x1];
	p0 =	sne.s32 s2, $0x0  }
0x292: {  	s3 =	rddreg [dreg:$0x2];
	[bflag:$0x3] =	sbarrier.arrive $0xFFFF;
	s2 =	simm.s32 @!p0 $0x1C07  }
0x293: {  	[timem:s3], [sflag:s2] =	dma.local @!p0 [hbm:s0], s1  }
0x294: {  	s0 =	simm.s32 @!p0 $0x7  }
0x295: {  	_ =	swait.ge @!p0 [sflag:s0], s1  }
0x296: {  	s1 =	ssub.s32 @!p0 $0x0, s1;
	[sflag:s0] =	ssyncset.done @!p0 $0x0  }
0x297: {  	[sflag:s0] =	ssyncadd.s32 @!p0 s1  }
0x298: {  	[bflag:$0x3] =	sbarrier.arrive $0xFFFF  }
0x299: {  	_ =	shalt  }

</sc_bundles>
